<compile_context>
chip_gen: v7x
topology: tpu7x:2x2x1
jax: 0.10.2.dev20260603
libtpu: 0.0.44.dev20260713+nightly
codegen_flags: <defaults>
</compile_context>

<pallas_src>
import functools

import jax
import jax.numpy as jnp
from jax import lax
from jax.experimental import pallas as pl
from jax.experimental.pallas import tpu as pltpu
from jax.experimental.pallas import tpu_sc as plsc

N = 10000
D = 128
E = 320000
NC = 2
NS = 16
NW = NC * NS
EPW = E // NW
K = 128
EPW_PAD = 10240
NCHUNK = EPW_PAD // K
PAD_N = 10240
ROWS_PER_TILE = PAD_N // NS


BLK = 1000
GRID = N // BLK

_mesh = plsc.VectorSubcoreMesh(core_axis_name="c", subcore_axis_name="s")
_sc_params = pltpu.CompilerParams(needs_layout_passes=False)



@functools.partial(
    pl.kernel,
    mesh=_mesh,
    out_type=jax.ShapeDtypeStruct((NW, N), jnp.float32),
    scratch_types=[
        pltpu.VMEM((EPW,), jnp.int32),
        pltpu.VMEM((N,), jnp.float32),
    ],
    compiler_params=_sc_params,
)
def _deg_kernel(dst_hbm, out_hbm, idx_v, deg_v):
    c = lax.axis_index("c")
    s = lax.axis_index("s")
    wid = s * NC + c
    pltpu.sync_copy(dst_hbm.at[pl.ds(wid * EPW, EPW)], idx_v)
    zeros16 = jnp.zeros((16,), jnp.float32)
    ones16 = jnp.ones((16,), jnp.float32)

    def zbody(i, carry):
        deg_v[pl.ds(i * 16, 16)] = zeros16
        return carry

    lax.fori_loop(0, N // 16, zbody, 0)

    def body(i, carry):
        idx = idx_v[pl.ds(i * 16, 16)]
        plsc.addupdate_scatter(deg_v, [idx], ones16)
        return carry

    lax.fori_loop(0, EPW // 16, body, 0)
    pltpu.sync_copy(deg_v, out_hbm.at[wid])



@functools.partial(
    pl.kernel,
    mesh=_mesh,
    out_type=jax.ShapeDtypeStruct((NC, PAD_N, D), jnp.float32),
    scratch_types=[
        pltpu.VMEM((NCHUNK, K), jnp.int32),
        pltpu.VMEM((NCHUNK, K), jnp.int32),
        pltpu.VMEM((K, D), jnp.float32),
        pltpu.VMEM_SHARED((PAD_N, D), jnp.float32),
        pltpu.SemaphoreType.DMA,
    ],
    compiler_params=_sc_params,
)
def _scatter_kernel(g_hbm, src_hbm, dst_hbm, out_hbm,
                    sidx_all, didx_all, rows0, acc, sem):
    c_ax = lax.axis_index("c")
    s_ax = lax.axis_index("s")
    wid = s_ax * NC + c_ax
    zeros16 = jnp.zeros((16,), jnp.float32)

    def zb(r, carry):
        for k in range(D // 16):
            rows0[r, pl.ds(k * 16, 16)] = zeros16
        return carry

    lax.fori_loop(0, K, zb, 0)

    def zs(i, carry):
        pltpu.sync_copy(rows0, acc.at[pl.ds(s_ax * ROWS_PER_TILE + i * K, K)])
        return carry

    lax.fori_loop(0, ROWS_PER_TILE // K, zs, 0)

    pltpu.sync_copy(src_hbm.at[wid], sidx_all)
    pltpu.sync_copy(dst_hbm.at[wid], didx_all)
    plsc.subcore_barrier()

    def chunk(i, carry):
        pltpu.async_copy(g_hbm.at[sidx_all.at[i]], rows0, sem).wait()
        pltpu.sync_copy(rows0, acc.at[didx_all.at[i]], add=True)
        return carry

    lax.fori_loop(0, NCHUNK, chunk, 0)

    plsc.subcore_barrier()

    @pl.when(s_ax == 0)
    def _():
        pltpu.sync_copy(acc, out_hbm.at[c_ax])



def _mm1_body(x_ref, w_ref, degs_ref, g_ref, dinv_ref):
    deg = jnp.sum(degs_ref[...], axis=1, keepdims=True) + 1.0
    dinv = lax.rsqrt(deg)
    h = jnp.dot(x_ref[...], w_ref[...], preferred_element_type=jnp.float32)
    g_ref[...] = h * dinv
    dinv_ref[...] = dinv


def _mid_body(p_ref, g_ref, dinv_ref, b_ref, w_ref, o_ref):
    acc = p_ref[0] + p_ref[1] + g_ref[...]
    pre = acc * dinv_ref[...] + b_ref[...]
    hin = jnp.maximum(pre, 0.0)
    o_ref[...] = jnp.dot(hin, w_ref[...], preferred_element_type=jnp.float32) * dinv_ref[...]


def _fin_body(p_ref, g_ref, dinv_ref, b_ref, o_ref):
    acc = p_ref[0] + p_ref[1] + g_ref[...]
    o_ref[...] = acc * dinv_ref[...] + b_ref[...]


_row_spec = pl.BlockSpec((BLK, D), lambda i: (i, 0))
_dinv_spec = pl.BlockSpec((BLK, 1), lambda i: (i, 0))
_w_spec = pl.BlockSpec((D, D), lambda i: (0, 0))
_b_spec = pl.BlockSpec((1, D), lambda i: (0, 0))
_p_spec = pl.BlockSpec((NC, BLK, D), lambda i: (0, i, 0))

_mm1 = pl.pallas_call(
    _mm1_body,
    grid=(GRID,),
    in_specs=[_row_spec, _w_spec, pl.BlockSpec((BLK, NW), lambda i: (i, 0))],
    out_specs=[_row_spec, _dinv_spec],
    out_shape=[
        jax.ShapeDtypeStruct((N, D), jnp.float32),
        jax.ShapeDtypeStruct((N, 1), jnp.float32),
    ],
)

_mid = pl.pallas_call(
    _mid_body,
    grid=(GRID,),
    in_specs=[_p_spec, _row_spec, _dinv_spec, _b_spec, _w_spec],
    out_specs=_row_spec,
    out_shape=jax.ShapeDtypeStruct((N, D), jnp.float32),
)

_fin = pl.pallas_call(
    _fin_body,
    grid=(GRID,),
    in_specs=[_p_spec, _row_spec, _dinv_spec, _b_spec],
    out_specs=_row_spec,
    out_shape=jax.ShapeDtypeStruct((N, D), jnp.float32),
)


def kernel(x, edge_index, W1, b1, W2, b2, W3, b3):
    src = edge_index[0].astype(jnp.int32)
    dst = edge_index[1].astype(jnp.int32)
    pad = EPW_PAD - EPW
    src_p = jnp.concatenate(
        [src.reshape(NW, EPW), jnp.zeros((NW, pad), jnp.int32)], axis=1
    ).reshape(NW, NCHUNK, K)
    dst_p = jnp.concatenate(
        [dst.reshape(NW, EPW), jnp.full((NW, pad), N, jnp.int32)], axis=1
    ).reshape(NW, NCHUNK, K)
    b1r = b1.reshape(1, D)
    b2r = b2.reshape(1, D)
    b3r = b3.reshape(1, D)

    degs_t = _deg_kernel(dst).T
    g1, dinv = _mm1(x, W1, degs_t)
    p1 = _scatter_kernel(g1, src_p, dst_p)
    g2 = _mid(p1, g1, dinv, b1r, W2)
    p2 = _scatter_kernel(g2, src_p, dst_p)
    g3 = _mid(p2, g2, dinv, b2r, W3)
    p3 = _scatter_kernel(g3, src_p, dst_p)
    return _fin(p3, g3, dinv, b3r)

# --- scband reference (transcript-rebuilt; emitter-appended) ---
"""Pipeline reference for scband-gcn-77395310674293 (READ-ONLY COPY).

The authoritative reference and input builder live on the scoring server;
editing this copy changes nothing except your own understanding.
"""

import jax, jax.numpy as jnp
import numpy as np

N_NODES = 10000
D = 128
N_EDGES = 320000


def gcn_conv(x, edge_index, W, b):
    # PyG GCNConv: linear transform, add self-loops, symmetric normalization, scatter-add at dst
    n = x.shape[0]
    h = x @ W
    src = edge_index[0]
    dst = edge_index[1]
    loop = jnp.arange(n, dtype=src.dtype)
    src = jnp.concatenate([src, loop])
    dst = jnp.concatenate([dst, loop])
    ew = jnp.ones(src.shape[0], dtype=h.dtype)
    deg = jnp.zeros((n,), dtype=h.dtype).at[dst].add(ew)
    dinv = jnp.where(deg > 0, 1.0 / jnp.sqrt(deg), 0.0)
    norm = dinv[src] * dinv[dst]
    msg = h[src] * norm[:, None]
    out = jnp.zeros_like(h).at[dst].add(msg)
    return out + b


def setup_inputs(seed: int = 0) -> dict:
    key = jax.random.key(seed)
    ks = jax.random.split(key, 8)
    x = jax.random.normal(ks[0], (N_NODES, D), dtype=jnp.float32)
    edge_index = jax.random.randint(ks[1], (2, N_EDGES), 0, N_NODES, dtype=jnp.int64)
    s = 1.0 / np.sqrt(D)
    W1 = jax.random.uniform(ks[2], (D, D), jnp.float32, -s, s)
    b1 = jnp.zeros((D,), jnp.float32)
    W2 = jax.random.uniform(ks[3], (D, D), jnp.float32, -s, s)
    b2 = jnp.zeros((D,), jnp.float32)
    W3 = jax.random.uniform(ks[4], (D, D), jnp.float32, -s, s)
    b3 = jnp.zeros((D,), jnp.float32)
    return {"x": x, "edge_index": edge_index, "W1": W1, "b1": b1, "W2": W2, "b2": b2, "W3": W3, "b3": b3}


def reference(x, edge_index, W1, b1, W2, b2, W3, b3):
    # GCN with layers [128 -> 128 -> 128 -> 128], ReLU + dropout(p=0, identity) between layers
    h = gcn_conv(x, edge_index, W1, b1)
    h = jax.nn.relu(h)
    h = gcn_conv(h, edge_index, W2, b2)
    h = jax.nn.relu(h)
    h = gcn_conv(h, edge_index, W3, b3)
    return h

if __name__ == "__main__":
    import jax
    _d = setup_inputs()
    print(jax.jit(kernel)(*tuple(_d.values())))

</pallas_src>

<mosaic_0001>
#map = affine_map<(d0, d1) -> (0, 0)>
#map1 = affine_map<(d0, d1) -> (0, 0, 0)>
module attributes {stable_mosaic.version = 14 : i64} {
  func.func @_scatter_kernel(%arg0: i32, %arg1: i32, %arg2: memref<10000x128xf32, #tpu.memory_space<hbm>>, %arg3: memref<32x80x128xi32, #tpu.memory_space<hbm>>, %arg4: memref<32x80x128xi32, #tpu.memory_space<hbm>>, %arg5: memref<2x10240x128xf32, #tpu.memory_space<hbm>>, %arg6: memref<80x128xi32, #tpu.memory_space<vmem>>, %arg7: memref<80x128xi32, #tpu.memory_space<vmem>>, %arg8: memref<128x128xf32, #tpu.memory_space<vmem>>, %arg9: memref<10240x128xf32, #tpu.memory_space<vmem_shared>>, %arg10: memref<!tpu.dma_semaphore, #tpu.memory_space<semaphore_mem>>) attributes {dimension_semantics = [#tpu.dimension_semantics<core_parallel>, #tpu.dimension_semantics<subcore_parallel>], iteration_bounds = array<i64: 2, 16>, scalar_prefetch = 0 : i64, scratch_operands = 5 : i64, tpu.core_type = #tpu.core_type<sc_vector_subcore>, window_params = [{transform_indices = #map}, {transform_indices = #map1}, {transform_indices = #map1}, {transform_indices = #map1}]} {
    %mul3A = arith.constant 2 : i32
    %mul3A_0 = arith.muli %arg1, %mul3A : i32
    %add3A = arith.addi %mul3A_0, %arg0 : i32
    %broadcast_in_dim3A = arith.constant 0.000000e+00 : f32
    %broadcast_in_dim3A_1 = vector.broadcast %broadcast_in_dim3A : f32 to vector<16xf32>
    %scan3A = arith.constant 0 : i32
    %scan3A_2 = arith.constant 0 : i32
    %scan3A_3 = arith.constant 128 : i32
    %scan3A_4 = arith.addi %scan3A_2, %scan3A_3 : i32
    %scan3A_5 = arith.constant 1 : i32
    scf.for %scan3A_22 = %scan3A_2 to %scan3A_4 step %scan3A_5  : i32 {
      %swap3A = arith.index_cast %scan3A_22 : i32 to index
      %swap3A_23 = arith.constant 0 : index
      %swap3A_24 = tpu.vector_load %arg8[%swap3A, %swap3A_23] {strides = array<i32>} : memref<128x128xf32, #tpu.memory_space<vmem>>, vector<16xf32>,
      tpu.vector_store %arg8[%swap3A, %swap3A_23], %broadcast_in_dim3A_1 {strides = array<i32>} : memref<128x128xf32, #tpu.memory_space<vmem>>, vector<16xf32>,
      %swap3A_25 = arith.index_cast %scan3A_22 : i32 to index
      %swap3A_26 = arith.constant 16 : index
      %swap3A_27 = tpu.vector_load %arg8[%swap3A_25, %swap3A_26] {strides = array<i32>} : memref<128x128xf32, #tpu.memory_space<vmem>>, vector<16xf32>,
      tpu.vector_store %arg8[%swap3A_25, %swap3A_26], %broadcast_in_dim3A_1 {strides = array<i32>} : memref<128x128xf32, #tpu.memory_space<vmem>>, vector<16xf32>,
      %swap3A_28 = arith.index_cast %scan3A_22 : i32 to index
      %swap3A_29 = arith.constant 32 : index
      %swap3A_30 = tpu.vector_load %arg8[%swap3A_28, %swap3A_29] {strides = array<i32>} : memref<128x128xf32, #tpu.memory_space<vmem>>, vector<16xf32>,
      tpu.vector_store %arg8[%swap3A_28, %swap3A_29], %broadcast_in_dim3A_1 {strides = array<i32>} : memref<128x128xf32, #tpu.memory_space<vmem>>, vector<16xf32>,
      %swap3A_31 = arith.index_cast %scan3A_22 : i32 to index
      %swap3A_32 = arith.constant 48 : index
      %swap3A_33 = tpu.vector_load %arg8[%swap3A_31, %swap3A_32] {strides = array<i32>} : memref<128x128xf32, #tpu.memory_space<vmem>>, vector<16xf32>,
      tpu.vector_store %arg8[%swap3A_31, %swap3A_32], %broadcast_in_dim3A_1 {strides = array<i32>} : memref<128x128xf32, #tpu.memory_space<vmem>>, vector<16xf32>,
      %swap3A_34 = arith.index_cast %scan3A_22 : i32 to index
      %swap3A_35 = arith.constant 64 : index
      %swap3A_36 = tpu.vector_load %arg8[%swap3A_34, %swap3A_35] {strides = array<i32>} : memref<128x128xf32, #tpu.memory_space<vmem>>, vector<16xf32>,
      tpu.vector_store %arg8[%swap3A_34, %swap3A_35], %broadcast_in_dim3A_1 {strides = array<i32>} : memref<128x128xf32, #tpu.memory_space<vmem>>, vector<16xf32>,
      %swap3A_37 = arith.index_cast %scan3A_22 : i32 to index
      %swap3A_38 = arith.constant 80 : index
      %swap3A_39 = tpu.vector_load %arg8[%swap3A_37, %swap3A_38] {strides = array<i32>} : memref<128x128xf32, #tpu.memory_space<vmem>>, vector<16xf32>,
      tpu.vector_store %arg8[%swap3A_37, %swap3A_38], %broadcast_in_dim3A_1 {strides = array<i32>} : memref<128x128xf32, #tpu.memory_space<vmem>>, vector<16xf32>,
      %swap3A_40 = arith.index_cast %scan3A_22 : i32 to index
      %swap3A_41 = arith.constant 96 : index
      %swap3A_42 = tpu.vector_load %arg8[%swap3A_40, %swap3A_41] {strides = array<i32>} : memref<128x128xf32, #tpu.memory_space<vmem>>, vector<16xf32>,
      tpu.vector_store %arg8[%swap3A_40, %swap3A_41], %broadcast_in_dim3A_1 {strides = array<i32>} : memref<128x128xf32, #tpu.memory_space<vmem>>, vector<16xf32>,
      %swap3A_43 = arith.index_cast %scan3A_22 : i32 to index
      %swap3A_44 = arith.constant 112 : index
      %swap3A_45 = tpu.vector_load %arg8[%swap3A_43, %swap3A_44] {strides = array<i32>} : memref<128x128xf32, #tpu.memory_space<vmem>>, vector<16xf32>,
      tpu.vector_store %arg8[%swap3A_43, %swap3A_44], %broadcast_in_dim3A_1 {strides = array<i32>} : memref<128x128xf32, #tpu.memory_space<vmem>>, vector<16xf32>,
    }
    %scan3A_6 = arith.constant 128 : i32
    %scan3A_7 = arith.constant 0 : i32
    %scan3A_8 = arith.constant 0 : i32
    %scan3A_9 = arith.constant 5 : i32
    %scan3A_10 = arith.addi %scan3A_8, %scan3A_9 : i32
    %scan3A_11 = arith.constant 1 : i32
    scf.for %scan3A_22 = %scan3A_8 to %scan3A_10 step %scan3A_11  : i32 {
      %mul3A_23 = arith.constant 640 : i32
      %mul3A_24 = arith.muli %arg1, %mul3A_23 : i32
      %mul3A_25 = arith.constant 128 : i32
      %mul3A_26 = arith.muli %scan3A_22, %mul3A_25 : i32
      %add3A_27 = arith.addi %mul3A_24, %mul3A_26 : i32
      "tpu.region"() ({
        %run_scoped3A = tpu.sem_alloc : memref<!tpu.dma_semaphore, #tpu.memory_space<semaphore_mem>>
        %dma_start3A = arith.constant 0 : i32
        %dma_start3A_28 = tpu.memref_slice %arg9[%add3A_27, %dma_start3A] : memref<10240x128xf32, #tpu.memory_space<vmem_shared>> -> memref<128x128xf32, #tpu.memory_space<vmem_shared>>
        %dma_start3A_29 = arith.constant 0 : i32
        %dma_start3A_30 = tpu.memref_slice %arg9[%add3A_27, %dma_start3A_29] : memref<10240x128xf32, #tpu.memory_space<vmem_shared>> -> memref<128x128xf32, #tpu.memory_space<vmem_shared>>
        tpu.enqueue_dma source(%arg8 : memref<128x128xf32, #tpu.memory_space<vmem>>) target(%dma_start3A_30 : memref<128x128xf32, #tpu.memory_space<vmem_shared>>) target_semaphore(%run_scoped3A : memref<!tpu.dma_semaphore, #tpu.memory_space<semaphore_mem>>)
        %dma_wait3A = arith.constant 0 : i32
        %dma_wait3A_31 = tpu.memref_slice %arg9[%add3A_27, %dma_wait3A] : memref<10240x128xf32, #tpu.memory_space<vmem_shared>> -> memref<128x128xf32, #tpu.memory_space<vmem_shared>>
        %dma_wait3A_32 = arith.constant 0 : i32
        %dma_wait3A_33 = tpu.memref_slice %arg9[%add3A_27, %dma_wait3A_32] : memref<10240x128xf32, #tpu.memory_space<vmem_shared>> -> memref<128x128xf32, #tpu.memory_space<vmem_shared>>
        tpu.wait_dma2 semaphore(%run_scoped3A : memref<!tpu.dma_semaphore, #tpu.memory_space<semaphore_mem>>) src(%arg8 : memref<128x128xf32, #tpu.memory_space<vmem>>) dst(%dma_wait3A_33 : memref<128x128xf32, #tpu.memory_space<vmem_shared>>)
        tpu.yield
      }) : () -> ()
    }
    %scan3A_12 = arith.constant 5 : i32
    "tpu.region"() ({
      %run_scoped3A = tpu.sem_alloc : memref<!tpu.dma_semaphore, #tpu.memory_space<semaphore_mem>>
      %dma_start3A = arith.constant 0 : i32
      %dma_start3A_22 = arith.constant 0 : i32
      %dma_start3A_23 = tpu.memref_slice %arg3[%add3A, %dma_start3A, %dma_start3A_22] : memref<32x80x128xi32, #tpu.memory_space<hbm>> -> memref<1x80x128xi32, #tpu.memory_space<hbm>>
      %dma_start3A_24 = tpu.memref_squeeze %dma_start3A_23 : memref<1x80x128xi32, #tpu.memory_space<hbm>> -> memref<80x128xi32, #tpu.memory_space<hbm>>
      %dma_start3A_25 = arith.constant 0 : i32
      %dma_start3A_26 = arith.constant 0 : i32
      %dma_start3A_27 = tpu.memref_slice %arg3[%add3A, %dma_start3A_25, %dma_start3A_26] : memref<32x80x128xi32, #tpu.memory_space<hbm>> -> memref<1x80x128xi32, #tpu.memory_space<hbm>>
      %dma_start3A_28 = tpu.memref_squeeze %dma_start3A_27 : memref<1x80x128xi32, #tpu.memory_space<hbm>> -> memref<80x128xi32, #tpu.memory_space<hbm>>
      tpu.enqueue_dma source(%dma_start3A_28 : memref<80x128xi32, #tpu.memory_space<hbm>>) target(%arg6 : memref<80x128xi32, #tpu.memory_space<vmem>>) target_semaphore(%run_scoped3A : memref<!tpu.dma_semaphore, #tpu.memory_space<semaphore_mem>>)
      %dma_wait3A = arith.constant 0 : i32
      %dma_wait3A_29 = arith.constant 0 : i32
      %dma_wait3A_30 = tpu.memref_slice %arg3[%add3A, %dma_wait3A, %dma_wait3A_29] : memref<32x80x128xi32, #tpu.memory_space<hbm>> -> memref<1x80x128xi32, #tpu.memory_space<hbm>>
      %dma_wait3A_31 = tpu.memref_squeeze %dma_wait3A_30 : memref<1x80x128xi32, #tpu.memory_space<hbm>> -> memref<80x128xi32, #tpu.memory_space<hbm>>
      %dma_wait3A_32 = arith.constant 0 : i32
      %dma_wait3A_33 = arith.constant 0 : i32
      %dma_wait3A_34 = tpu.memref_slice %arg3[%add3A, %dma_wait3A_32, %dma_wait3A_33] : memref<32x80x128xi32, #tpu.memory_space<hbm>> -> memref<1x80x128xi32, #tpu.memory_space<hbm>>
      %dma_wait3A_35 = tpu.memref_squeeze %dma_wait3A_34 : memref<1x80x128xi32, #tpu.memory_space<hbm>> -> memref<80x128xi32, #tpu.memory_space<hbm>>
      tpu.wait_dma2 semaphore(%run_scoped3A : memref<!tpu.dma_semaphore, #tpu.memory_space<semaphore_mem>>) src(%dma_wait3A_35 : memref<80x128xi32, #tpu.memory_space<hbm>>) dst(%arg6 : memref<80x128xi32, #tpu.memory_space<vmem>>)
      tpu.yield
    }) : () -> ()
    "tpu.region"() ({
      %run_scoped3A = tpu.sem_alloc : memref<!tpu.dma_semaphore, #tpu.memory_space<semaphore_mem>>
      %dma_start3A = arith.constant 0 : i32
      %dma_start3A_22 = arith.constant 0 : i32
      %dma_start3A_23 = tpu.memref_slice %arg4[%add3A, %dma_start3A, %dma_start3A_22] : memref<32x80x128xi32, #tpu.memory_space<hbm>> -> memref<1x80x128xi32, #tpu.memory_space<hbm>>
      %dma_start3A_24 = tpu.memref_squeeze %dma_start3A_23 : memref<1x80x128xi32, #tpu.memory_space<hbm>> -> memref<80x128xi32, #tpu.memory_space<hbm>>
      %dma_start3A_25 = arith.constant 0 : i32
      %dma_start3A_26 = arith.constant 0 : i32
      %dma_start3A_27 = tpu.memref_slice %arg4[%add3A, %dma_start3A_25, %dma_start3A_26] : memref<32x80x128xi32, #tpu.memory_space<hbm>> -> memref<1x80x128xi32, #tpu.memory_space<hbm>>
      %dma_start3A_28 = tpu.memref_squeeze %dma_start3A_27 : memref<1x80x128xi32, #tpu.memory_space<hbm>> -> memref<80x128xi32, #tpu.memory_space<hbm>>
      tpu.enqueue_dma source(%dma_start3A_28 : memref<80x128xi32, #tpu.memory_space<hbm>>) target(%arg7 : memref<80x128xi32, #tpu.memory_space<vmem>>) target_semaphore(%run_scoped3A : memref<!tpu.dma_semaphore, #tpu.memory_space<semaphore_mem>>)
      %dma_wait3A = arith.constant 0 : i32
      %dma_wait3A_29 = arith.constant 0 : i32
      %dma_wait3A_30 = tpu.memref_slice %arg4[%add3A, %dma_wait3A, %dma_wait3A_29] : memref<32x80x128xi32, #tpu.memory_space<hbm>> -> memref<1x80x128xi32, #tpu.memory_space<hbm>>
      %dma_wait3A_31 = tpu.memref_squeeze %dma_wait3A_30 : memref<1x80x128xi32, #tpu.memory_space<hbm>> -> memref<80x128xi32, #tpu.memory_space<hbm>>
      %dma_wait3A_32 = arith.constant 0 : i32
      %dma_wait3A_33 = arith.constant 0 : i32
      %dma_wait3A_34 = tpu.memref_slice %arg4[%add3A, %dma_wait3A_32, %dma_wait3A_33] : memref<32x80x128xi32, #tpu.memory_space<hbm>> -> memref<1x80x128xi32, #tpu.memory_space<hbm>>
      %dma_wait3A_35 = tpu.memref_squeeze %dma_wait3A_34 : memref<1x80x128xi32, #tpu.memory_space<hbm>> -> memref<80x128xi32, #tpu.memory_space<hbm>>
      tpu.wait_dma2 semaphore(%run_scoped3A : memref<!tpu.dma_semaphore, #tpu.memory_space<semaphore_mem>>) src(%dma_wait3A_35 : memref<80x128xi32, #tpu.memory_space<hbm>>) dst(%arg7 : memref<80x128xi32, #tpu.memory_space<vmem>>)
      tpu.yield
    }) : () -> ()
    %barrier3A = arith.constant 0 : index
    tpu.barrier barrier_id(%barrier3A)
    %scan3A_13 = arith.constant 0 : i32
    %scan3A_14 = arith.constant 0 : i32
    %scan3A_15 = arith.constant 80 : i32
    %scan3A_16 = arith.addi %scan3A_14, %scan3A_15 : i32
    %scan3A_17 = arith.constant 1 : i32
    scf.for %scan3A_22 = %scan3A_14 to %scan3A_16 step %scan3A_17  : i32 {
      %dma_start3A = arith.constant 0 : i32
      %dma_start3A_23 = tpu.memref_slice %arg6[%scan3A_22, %dma_start3A] : memref<80x128xi32, #tpu.memory_space<vmem>> -> memref<1x128xi32, #tpu.memory_space<vmem>>
      %dma_start3A_24 = tpu.memref_squeeze %dma_start3A_23 : memref<1x128xi32, #tpu.memory_space<vmem>> -> memref<128xi32, #tpu.memory_space<vmem>>
      %dma_start3A_25 = arith.constant 0 : i32
      %dma_start3A_26 = arith.constant 0 : i32
      %dma_start3A_27 = tpu.memref_slice %arg2[%dma_start3A_25, %dma_start3A_26] : memref<10000x128xf32, #tpu.memory_space<hbm>> -> memref<10000x128xf32, #tpu.memory_space<hbm>>
      tpu.enqueue_indirect_dma source(%dma_start3A_27 : memref<10000x128xf32, #tpu.memory_space<hbm>>) target(%arg8 : memref<128x128xf32, #tpu.memory_space<vmem>>) offsets(%dma_start3A_24 : memref<128xi32, #tpu.memory_space<vmem>>) semaphore(%arg10 : memref<!tpu.dma_semaphore, #tpu.memory_space<semaphore_mem>>)
      %dma_wait3A = arith.constant 0 : i32
      %dma_wait3A_28 = tpu.memref_slice %arg6[%scan3A_22, %dma_wait3A] : memref<80x128xi32, #tpu.memory_space<vmem>> -> memref<1x128xi32, #tpu.memory_space<vmem>>
      %dma_wait3A_29 = tpu.memref_squeeze %dma_wait3A_28 : memref<1x128xi32, #tpu.memory_space<vmem>> -> memref<128xi32, #tpu.memory_space<vmem>>
      %dma_wait3A_30 = arith.constant 0 : i32
      %dma_wait3A_31 = arith.constant 0 : i32
      %dma_wait3A_32 = tpu.memref_slice %arg2[%dma_wait3A_30, %dma_wait3A_31] : memref<10000x128xf32, #tpu.memory_space<hbm>> -> memref<10000x128xf32, #tpu.memory_space<hbm>>
      tpu.wait_indirect_dma semaphore(%arg10 : memref<!tpu.dma_semaphore, #tpu.memory_space<semaphore_mem>>) src(%dma_wait3A_32 : memref<10000x128xf32, #tpu.memory_space<hbm>>) dst(%arg8 : memref<128x128xf32, #tpu.memory_space<vmem>>)
      "tpu.region"() ({
        %run_scoped3A = tpu.sem_alloc : memref<!tpu.dma_semaphore, #tpu.memory_space<semaphore_mem>>
        %dma_start3A_33 = arith.constant 0 : i32
        %dma_start3A_34 = tpu.memref_slice %arg7[%scan3A_22, %dma_start3A_33] : memref<80x128xi32, #tpu.memory_space<vmem>> -> memref<1x128xi32, #tpu.memory_space<vmem>>
        %dma_start3A_35 = tpu.memref_squeeze %dma_start3A_34 : memref<1x128xi32, #tpu.memory_space<vmem>> -> memref<128xi32, #tpu.memory_space<vmem>>
        %dma_start3A_36 = arith.constant 0 : i32
        %dma_start3A_37 = arith.constant 0 : i32
        %dma_start3A_38 = tpu.memref_slice %arg9[%dma_start3A_36, %dma_start3A_37] : memref<10240x128xf32, #tpu.memory_space<vmem_shared>> -> memref<10240x128xf32, #tpu.memory_space<vmem_shared>>
        tpu.enqueue_indirect_dma source(%arg8 : memref<128x128xf32, #tpu.memory_space<vmem>>) target(%dma_start3A_38 : memref<10240x128xf32, #tpu.memory_space<vmem_shared>>) offsets(%dma_start3A_35 : memref<128xi32, #tpu.memory_space<vmem>>) semaphore(%run_scoped3A : memref<!tpu.dma_semaphore, #tpu.memory_space<semaphore_mem>>) {add = true}
        %dma_wait3A_39 = arith.constant 0 : i32
        %dma_wait3A_40 = tpu.memref_slice %arg7[%scan3A_22, %dma_wait3A_39] : memref<80x128xi32, #tpu.memory_space<vmem>> -> memref<1x128xi32, #tpu.memory_space<vmem>>
        %dma_wait3A_41 = tpu.memref_squeeze %dma_wait3A_40 : memref<1x128xi32, #tpu.memory_space<vmem>> -> memref<128xi32, #tpu.memory_space<vmem>>
        %dma_wait3A_42 = arith.constant 0 : i32
        %dma_wait3A_43 = arith.constant 0 : i32
        %dma_wait3A_44 = tpu.memref_slice %arg9[%dma_wait3A_42, %dma_wait3A_43] : memref<10240x128xf32, #tpu.memory_space<vmem_shared>> -> memref<10240x128xf32, #tpu.memory_space<vmem_shared>>
        tpu.wait_indirect_dma semaphore(%run_scoped3A : memref<!tpu.dma_semaphore, #tpu.memory_space<semaphore_mem>>) src(%arg8 : memref<128x128xf32, #tpu.memory_space<vmem>>) dst(%dma_wait3A_44 : memref<10240x128xf32, #tpu.memory_space<vmem_shared>>)
        tpu.yield
      }) : () -> ()
    }
    %scan3A_18 = arith.constant 80 : i32
    %barrier3A_19 = arith.constant 0 : index
    tpu.barrier barrier_id(%barrier3A_19)
    %eq3A = arith.constant 0 : i32
    %eq3A_20 = arith.cmpi eq, %arg1, %eq3A : i32
    %convert_element_type3A = arith.extui %eq3A_20 : i1 to i32
    %cond3A = arith.constant 0 : i32
    %cond3A_21 = arith.cmpi ne, %convert_element_type3A, %cond3A : i32
    scf.if %cond3A_21 {
      "tpu.region"() ({
        %run_scoped3A = tpu.sem_alloc : memref<!tpu.dma_semaphore, #tpu.memory_space<semaphore_mem>>
        %dma_start3A = arith.constant 0 : i32
        %dma_start3A_22 = arith.constant 0 : i32
        %dma_start3A_23 = tpu.memref_slice %arg5[%arg0, %dma_start3A, %dma_start3A_22] : memref<2x10240x128xf32, #tpu.memory_space<hbm>> -> memref<1x10240x128xf32, #tpu.memory_space<hbm>>
        %dma_start3A_24 = tpu.memref_squeeze %dma_start3A_23 : memref<1x10240x128xf32, #tpu.memory_space<hbm>> -> memref<10240x128xf32, #tpu.memory_space<hbm>>
        tpu.enqueue_dma source(%arg9 : memref<10240x128xf32, #tpu.memory_space<vmem_shared>>) target(%dma_start3A_24 : memref<10240x128xf32, #tpu.memory_space<hbm>>) target_semaphore(%run_scoped3A : memref<!tpu.dma_semaphore, #tpu.memory_space<semaphore_mem>>)
        %dma_wait3A = arith.constant 0 : i32
        %dma_wait3A_25 = arith.constant 0 : i32
        %dma_wait3A_26 = tpu.memref_slice %arg5[%arg0, %dma_wait3A, %dma_wait3A_25] : memref<2x10240x128xf32, #tpu.memory_space<hbm>> -> memref<1x10240x128xf32, #tpu.memory_space<hbm>>
        %dma_wait3A_27 = tpu.memref_squeeze %dma_wait3A_26 : memref<1x10240x128xf32, #tpu.memory_space<hbm>> -> memref<10240x128xf32, #tpu.memory_space<hbm>>
        tpu.wait_dma2 semaphore(%run_scoped3A : memref<!tpu.dma_semaphore, #tpu.memory_space<semaphore_mem>>) src(%arg9 : memref<10240x128xf32, #tpu.memory_space<vmem_shared>>) dst(%dma_wait3A_27 : memref<10240x128xf32, #tpu.memory_space<hbm>>)
        tpu.yield
      }) : () -> ()
    } else {
    }
    return
  }
}

#map = affine_map<(d0, d1) -> (0, 0)>
#map1 = affine_map<(d0, d1) -> (0, 0, 0)>
module attributes {stable_mosaic.version = 14 : i64} {
  func.func @_scatter_kernel(%arg0: i32, %arg1: i32, %arg2: memref<10000x128xf32, #tpu.memory_space<hbm>>, %arg3: memref<32x80x128xi32, #tpu.memory_space<hbm>>, %arg4: memref<32x80x128xi32, #tpu.memory_space<hbm>>, %arg5: memref<2x10240x128xf32, #tpu.memory_space<hbm>>, %arg6: memref<80x128xi32, #tpu.memory_space<vmem>>, %arg7: memref<80x128xi32, #tpu.memory_space<vmem>>, %arg8: memref<128x128xf32, #tpu.memory_space<vmem>>, %arg9: memref<10240x128xf32, #tpu.memory_space<vmem_shared>>, %arg10: memref<!tpu.dma_semaphore, #tpu.memory_space<semaphore_mem>>) attributes {dimension_semantics = [#tpu.dimension_semantics<core_parallel>, #tpu.dimension_semantics<subcore_parallel>], iteration_bounds = array<i64: 2, 16>, scalar_prefetch = 0 : i64, scratch_operands = 5 : i64, tpu.core_type = #tpu.core_type<sc_vector_subcore>, window_params = [{transform_indices = #map}, {transform_indices = #map1}, {transform_indices = #map1}, {transform_indices = #map1}]} {
    %mul3A = arith.constant 2 : i32
    %mul3A_0 = arith.muli %arg1, %mul3A : i32
    %add3A = arith.addi %mul3A_0, %arg0 : i32
    %broadcast_in_dim3A = arith.constant 0.000000e+00 : f32
    %broadcast_in_dim3A_1 = vector.broadcast %broadcast_in_dim3A : f32 to vector<16xf32>
    %scan3A = arith.constant 0 : i32
    %scan3A_2 = arith.constant 0 : i32
    %scan3A_3 = arith.constant 128 : i32
    %scan3A_4 = arith.addi %scan3A_2, %scan3A_3 : i32
    %scan3A_5 = arith.constant 1 : i32
    scf.for %scan3A_22 = %scan3A_2 to %scan3A_4 step %scan3A_5  : i32 {
      %swap3A = arith.index_cast %scan3A_22 : i32 to index
      %swap3A_23 = arith.constant 0 : index
      %swap3A_24 = tpu.vector_load %arg8[%swap3A, %swap3A_23] {strides = array<i32>} : memref<128x128xf32, #tpu.memory_space<vmem>>, vector<16xf32>,
      tpu.vector_store %arg8[%swap3A, %swap3A_23], %broadcast_in_dim3A_1 {strides = array<i32>} : memref<128x128xf32, #tpu.memory_space<vmem>>, vector<16xf32>,
      %swap3A_25 = arith.index_cast %scan3A_22 : i32 to index
      %swap3A_26 = arith.constant 16 : index
      %swap3A_27 = tpu.vector_load %arg8[%swap3A_25, %swap3A_26] {strides = array<i32>} : memref<128x128xf32, #tpu.memory_space<vmem>>, vector<16xf32>,
      tpu.vector_store %arg8[%swap3A_25, %swap3A_26], %broadcast_in_dim3A_1 {strides = array<i32>} : memref<128x128xf32, #tpu.memory_space<vmem>>, vector<16xf32>,
      %swap3A_28 = arith.index_cast %scan3A_22 : i32 to index
      %swap3A_29 = arith.constant 32 : index
      %swap3A_30 = tpu.vector_load %arg8[%swap3A_28, %swap3A_29] {strides = array<i32>} : memref<128x128xf32, #tpu.memory_space<vmem>>, vector<16xf32>,
      tpu.vector_store %arg8[%swap3A_28, %swap3A_29], %broadcast_in_dim3A_1 {strides = array<i32>} : memref<128x128xf32, #tpu.memory_space<vmem>>, vector<16xf32>,
      %swap3A_31 = arith.index_cast %scan3A_22 : i32 to index
      %swap3A_32 = arith.constant 48 : index
      %swap3A_33 = tpu.vector_load %arg8[%swap3A_31, %swap3A_32] {strides = array<i32>} : memref<128x128xf32, #tpu.memory_space<vmem>>, vector<16xf32>,
      tpu.vector_store %arg8[%swap3A_31, %swap3A_32], %broadcast_in_dim3A_1 {strides = array<i32>} : memref<128x128xf32, #tpu.memory_space<vmem>>, vector<16xf32>,
      %swap3A_34 = arith.index_cast %scan3A_22 : i32 to index
      %swap3A_35 = arith.constant 64 : index
      %swap3A_36 = tpu.vector_load %arg8[%swap3A_34, %swap3A_35] {strides = array<i32>} : memref<128x128xf32, #tpu.memory_space<vmem>>, vector<16xf32>,
      tpu.vector_store %arg8[%swap3A_34, %swap3A_35], %broadcast_in_dim3A_1 {strides = array<i32>} : memref<128x128xf32, #tpu.memory_space<vmem>>, vector<16xf32>,
      %swap3A_37 = arith.index_cast %scan3A_22 : i32 to index
      %swap3A_38 = arith.constant 80 : index
      %swap3A_39 = tpu.vector_load %arg8[%swap3A_37, %swap3A_38] {strides = array<i32>} : memref<128x128xf32, #tpu.memory_space<vmem>>, vector<16xf32>,
      tpu.vector_store %arg8[%swap3A_37, %swap3A_38], %broadcast_in_dim3A_1 {strides = array<i32>} : memref<128x128xf32, #tpu.memory_space<vmem>>, vector<16xf32>,
      %swap3A_40 = arith.index_cast %scan3A_22 : i32 to index
      %swap3A_41 = arith.constant 96 : index
      %swap3A_42 = tpu.vector_load %arg8[%swap3A_40, %swap3A_41] {strides = array<i32>} : memref<128x128xf32, #tpu.memory_space<vmem>>, vector<16xf32>,
      tpu.vector_store %arg8[%swap3A_40, %swap3A_41], %broadcast_in_dim3A_1 {strides = array<i32>} : memref<128x128xf32, #tpu.memory_space<vmem>>, vector<16xf32>,
      %swap3A_43 = arith.index_cast %scan3A_22 : i32 to index
      %swap3A_44 = arith.constant 112 : index
      %swap3A_45 = tpu.vector_load %arg8[%swap3A_43, %swap3A_44] {strides = array<i32>} : memref<128x128xf32, #tpu.memory_space<vmem>>, vector<16xf32>,
      tpu.vector_store %arg8[%swap3A_43, %swap3A_44], %broadcast_in_dim3A_1 {strides = array<i32>} : memref<128x128xf32, #tpu.memory_space<vmem>>, vector<16xf32>,
    }
    %scan3A_6 = arith.constant 128 : i32
    %scan3A_7 = arith.constant 0 : i32
    %scan3A_8 = arith.constant 0 : i32
    %scan3A_9 = arith.constant 5 : i32
    %scan3A_10 = arith.addi %scan3A_8, %scan3A_9 : i32
    %scan3A_11 = arith.constant 1 : i32
    scf.for %scan3A_22 = %scan3A_8 to %scan3A_10 step %scan3A_11  : i32 {
      %mul3A_23 = arith.constant 640 : i32
      %mul3A_24 = arith.muli %arg1, %mul3A_23 : i32
      %mul3A_25 = arith.constant 128 : i32
      %mul3A_26 = arith.muli %scan3A_22, %mul3A_25 : i32
      %add3A_27 = arith.addi %mul3A_24, %mul3A_26 : i32
      "tpu.region"() ({
        %run_scoped3A = tpu.sem_alloc : memref<!tpu.dma_semaphore, #tpu.memory_space<semaphore_mem>>
        %dma_start3A = arith.constant 0 : i32
        %dma_start3A_28 = tpu.memref_slice %arg9[%add3A_27, %dma_start3A] : memref<10240x128xf32, #tpu.memory_space<vmem_shared>> -> memref<128x128xf32, #tpu.memory_space<vmem_shared>>
        %dma_start3A_29 = arith.constant 0 : i32
        %dma_start3A_30 = tpu.memref_slice %arg9[%add3A_27, %dma_start3A_29] : memref<10240x128xf32, #tpu.memory_space<vmem_shared>> -> memref<128x128xf32, #tpu.memory_space<vmem_shared>>
        tpu.enqueue_dma source(%arg8 : memref<128x128xf32, #tpu.memory_space<vmem>>) target(%dma_start3A_30 : memref<128x128xf32, #tpu.memory_space<vmem_shared>>) target_semaphore(%run_scoped3A : memref<!tpu.dma_semaphore, #tpu.memory_space<semaphore_mem>>)
        %dma_wait3A = arith.constant 0 : i32
        %dma_wait3A_31 = tpu.memref_slice %arg9[%add3A_27, %dma_wait3A] : memref<10240x128xf32, #tpu.memory_space<vmem_shared>> -> memref<128x128xf32, #tpu.memory_space<vmem_shared>>
        %dma_wait3A_32 = arith.constant 0 : i32
        %dma_wait3A_33 = tpu.memref_slice %arg9[%add3A_27, %dma_wait3A_32] : memref<10240x128xf32, #tpu.memory_space<vmem_shared>> -> memref<128x128xf32, #tpu.memory_space<vmem_shared>>
        tpu.wait_dma2 semaphore(%run_scoped3A : memref<!tpu.dma_semaphore, #tpu.memory_space<semaphore_mem>>) src(%arg8 : memref<128x128xf32, #tpu.memory_space<vmem>>) dst(%dma_wait3A_33 : memref<128x128xf32, #tpu.memory_space<vmem_shared>>)
        tpu.yield
      }) : () -> ()
    }
    %scan3A_12 = arith.constant 5 : i32
    "tpu.region"() ({
      %run_scoped3A = tpu.sem_alloc : memref<!tpu.dma_semaphore, #tpu.memory_space<semaphore_mem>>
      %dma_start3A = arith.constant 0 : i32
      %dma_start3A_22 = arith.constant 0 : i32
      %dma_start3A_23 = tpu.memref_slice %arg3[%add3A, %dma_start3A, %dma_start3A_22] : memref<32x80x128xi32, #tpu.memory_space<hbm>> -> memref<1x80x128xi32, #tpu.memory_space<hbm>>
      %dma_start3A_24 = tpu.memref_squeeze %dma_start3A_23 : memref<1x80x128xi32, #tpu.memory_space<hbm>> -> memref<80x128xi32, #tpu.memory_space<hbm>>
      %dma_start3A_25 = arith.constant 0 : i32
      %dma_start3A_26 = arith.constant 0 : i32
      %dma_start3A_27 = tpu.memref_slice %arg3[%add3A, %dma_start3A_25, %dma_start3A_26] : memref<32x80x128xi32, #tpu.memory_space<hbm>> -> memref<1x80x128xi32, #tpu.memory_space<hbm>>
      %dma_start3A_28 = tpu.memref_squeeze %dma_start3A_27 : memref<1x80x128xi32, #tpu.memory_space<hbm>> -> memref<80x128xi32, #tpu.memory_space<hbm>>
      tpu.enqueue_dma source(%dma_start3A_28 : memref<80x128xi32, #tpu.memory_space<hbm>>) target(%arg6 : memref<80x128xi32, #tpu.memory_space<vmem>>) target_semaphore(%run_scoped3A : memref<!tpu.dma_semaphore, #tpu.memory_space<semaphore_mem>>)
      %dma_wait3A = arith.constant 0 : i32
      %dma_wait3A_29 = arith.constant 0 : i32
      %dma_wait3A_30 = tpu.memref_slice %arg3[%add3A, %dma_wait3A, %dma_wait3A_29] : memref<32x80x128xi32, #tpu.memory_space<hbm>> -> memref<1x80x128xi32, #tpu.memory_space<hbm>>
      %dma_wait3A_31 = tpu.memref_squeeze %dma_wait3A_30 : memref<1x80x128xi32, #tpu.memory_space<hbm>> -> memref<80x128xi32, #tpu.memory_space<hbm>>
      %dma_wait3A_32 = arith.constant 0 : i32
      %dma_wait3A_33 = arith.constant 0 : i32
      %dma_wait3A_34 = tpu.memref_slice %arg3[%add3A, %dma_wait3A_32, %dma_wait3A_33] : memref<32x80x128xi32, #tpu.memory_space<hbm>> -> memref<1x80x128xi32, #tpu.memory_space<hbm>>
      %dma_wait3A_35 = tpu.memref_squeeze %dma_wait3A_34 : memref<1x80x128xi32, #tpu.memory_space<hbm>> -> memref<80x128xi32, #tpu.memory_space<hbm>>
      tpu.wait_dma2 semaphore(%run_scoped3A : memref<!tpu.dma_semaphore, #tpu.memory_space<semaphore_mem>>) src(%dma_wait3A_35 : memref<80x128xi32, #tpu.memory_space<hbm>>) dst(%arg6 : memref<80x128xi32, #tpu.memory_space<vmem>>)
      tpu.yield
    }) : () -> ()
    "tpu.region"() ({
      %run_scoped3A = tpu.sem_alloc : memref<!tpu.dma_semaphore, #tpu.memory_space<semaphore_mem>>
      %dma_start3A = arith.constant 0 : i32
      %dma_start3A_22 = arith.constant 0 : i32
      %dma_start3A_23 = tpu.memref_slice %arg4[%add3A, %dma_start3A, %dma_start3A_22] : memref<32x80x128xi32, #tpu.memory_space<hbm>> -> memref<1x80x128xi32, #tpu.memory_space<hbm>>
      %dma_start3A_24 = tpu.memref_squeeze %dma_start3A_23 : memref<1x80x128xi32, #tpu.memory_space<hbm>> -> memref<80x128xi32, #tpu.memory_space<hbm>>
      %dma_start3A_25 = arith.constant 0 : i32
      %dma_start3A_26 = arith.constant 0 : i32
      %dma_start3A_27 = tpu.memref_slice %arg4[%add3A, %dma_start3A_25, %dma_start3A_26] : memref<32x80x128xi32, #tpu.memory_space<hbm>> -> memref<1x80x128xi32, #tpu.memory_space<hbm>>
      %dma_start3A_28 = tpu.memref_squeeze %dma_start3A_27 : memref<1x80x128xi32, #tpu.memory_space<hbm>> -> memref<80x128xi32, #tpu.memory_space<hbm>>
      tpu.enqueue_dma source(%dma_start3A_28 : memref<80x128xi32, #tpu.memory_space<hbm>>) target(%arg7 : memref<80x128xi32, #tpu.memory_space<vmem>>) target_semaphore(%run_scoped3A : memref<!tpu.dma_semaphore, #tpu.memory_space<semaphore_mem>>)
      %dma_wait3A = arith.constant 0 : i32
      %dma_wait3A_29 = arith.constant 0 : i32
      %dma_wait3A_30 = tpu.memref_slice %arg4[%add3A, %dma_wait3A, %dma_wait3A_29] : memref<32x80x128xi32, #tpu.memory_space<hbm>> -> memref<1x80x128xi32, #tpu.memory_space<hbm>>
      %dma_wait3A_31 = tpu.memref_squeeze %dma_wait3A_30 : memref<1x80x128xi32, #tpu.memory_space<hbm>> -> memref<80x128xi32, #tpu.memory_space<hbm>>
      %dma_wait3A_32 = arith.constant 0 : i32
      %dma_wait3A_33 = arith.constant 0 : i32
      %dma_wait3A_34 = tpu.memref_slice %arg4[%add3A, %dma_wait3A_32, %dma_wait3A_33] : memref<32x80x128xi32, #tpu.memory_space<hbm>> -> memref<1x80x128xi32, #tpu.memory_space<hbm>>
      %dma_wait3A_35 = tpu.memref_squeeze %dma_wait3A_34 : memref<1x80x128xi32, #tpu.memory_space<hbm>> -> memref<80x128xi32, #tpu.memory_space<hbm>>
      tpu.wait_dma2 semaphore(%run_scoped3A : memref<!tpu.dma_semaphore, #tpu.memory_space<semaphore_mem>>) src(%dma_wait3A_35 : memref<80x128xi32, #tpu.memory_space<hbm>>) dst(%arg7 : memref<80x128xi32, #tpu.memory_space<vmem>>)
      tpu.yield
    }) : () -> ()
    %barrier3A = arith.constant 0 : index
    tpu.barrier barrier_id(%barrier3A)
    %scan3A_13 = arith.constant 0 : i32
    %scan3A_14 = arith.constant 0 : i32
    %scan3A_15 = arith.constant 80 : i32
    %scan3A_16 = arith.addi %scan3A_14, %scan3A_15 : i32
    %scan3A_17 = arith.constant 1 : i32
    scf.for %scan3A_22 = %scan3A_14 to %scan3A_16 step %scan3A_17  : i32 {
      %dma_start3A = arith.constant 0 : i32
      %dma_start3A_23 = tpu.memref_slice %arg6[%scan3A_22, %dma_start3A] : memref<80x128xi32, #tpu.memory_space<vmem>> -> memref<1x128xi32, #tpu.memory_space<vmem>>
      %dma_start3A_24 = tpu.memref_squeeze %dma_start3A_23 : memref<1x128xi32, #tpu.memory_space<vmem>> -> memref<128xi32, #tpu.memory_space<vmem>>
      %dma_start3A_25 = arith.constant 0 : i32
      %dma_start3A_26 = arith.constant 0 : i32
      %dma_start3A_27 = tpu.memref_slice %arg2[%dma_start3A_25, %dma_start3A_26] : memref<10000x128xf32, #tpu.memory_space<hbm>> -> memref<10000x128xf32, #tpu.memory_space<hbm>>
      tpu.enqueue_indirect_dma source(%dma_start3A_27 : memref<10000x128xf32, #tpu.memory_space<hbm>>) target(%arg8 : memref<128x128xf32, #tpu.memory_space<vmem>>) offsets(%dma_start3A_24 : memref<128xi32, #tpu.memory_space<vmem>>) semaphore(%arg10 : memref<!tpu.dma_semaphore, #tpu.memory_space<semaphore_mem>>)
      %dma_wait3A = arith.constant 0 : i32
      %dma_wait3A_28 = tpu.memref_slice %arg6[%scan3A_22, %dma_wait3A] : memref<80x128xi32, #tpu.memory_space<vmem>> -> memref<1x128xi32, #tpu.memory_space<vmem>>
      %dma_wait3A_29 = tpu.memref_squeeze %dma_wait3A_28 : memref<1x128xi32, #tpu.memory_space<vmem>> -> memref<128xi32, #tpu.memory_space<vmem>>
      %dma_wait3A_30 = arith.constant 0 : i32
      %dma_wait3A_31 = arith.constant 0 : i32
      %dma_wait3A_32 = tpu.memref_slice %arg2[%dma_wait3A_30, %dma_wait3A_31] : memref<10000x128xf32, #tpu.memory_space<hbm>> -> memref<10000x128xf32, #tpu.memory_space<hbm>>
      tpu.wait_indirect_dma semaphore(%arg10 : memref<!tpu.dma_semaphore, #tpu.memory_space<semaphore_mem>>) src(%dma_wait3A_32 : memref<10000x128xf32, #tpu.memory_space<hbm>>) dst(%arg8 : memref<128x128xf32, #tpu.memory_space<vmem>>)
      "tpu.region"() ({
        %run_scoped3A = tpu.sem_alloc : memref<!tpu.dma_semaphore, #tpu.memory_space<semaphore_mem>>
        %dma_start3A_33 = arith.constant 0 : i32
        %dma_start3A_34 = tpu.memref_slice %arg7[%scan3A_22, %dma_start3A_33] : memref<80x128xi32, #tpu.memory_space<vmem>> -> memref<1x128xi32, #tpu.memory_space<vmem>>
        %dma_start3A_35 = tpu.memref_squeeze %dma_start3A_34 : memref<1x128xi32, #tpu.memory_space<vmem>> -> memref<128xi32, #tpu.memory_space<vmem>>
        %dma_start3A_36 = arith.constant 0 : i32
        %dma_start3A_37 = arith.constant 0 : i32
        %dma_start3A_38 = tpu.memref_slice %arg9[%dma_start3A_36, %dma_start3A_37] : memref<10240x128xf32, #tpu.memory_space<vmem_shared>> -> memref<10240x128xf32, #tpu.memory_space<vmem_shared>>
        tpu.enqueue_indirect_dma source(%arg8 : memref<128x128xf32, #tpu.memory_space<vmem>>) target(%dma_start3A_38 : memref<10240x128xf32, #tpu.memory_space<vmem_shared>>) offsets(%dma_start3A_35 : memref<128xi32, #tpu.memory_space<vmem>>) semaphore(%run_scoped3A : memref<!tpu.dma_semaphore, #tpu.memory_space<semaphore_mem>>) {add = true}
        %dma_wait3A_39 = arith.constant 0 : i32
        %dma_wait3A_40 = tpu.memref_slice %arg7[%scan3A_22, %dma_wait3A_39] : memref<80x128xi32, #tpu.memory_space<vmem>> -> memref<1x128xi32, #tpu.memory_space<vmem>>
        %dma_wait3A_41 = tpu.memref_squeeze %dma_wait3A_40 : memref<1x128xi32, #tpu.memory_space<vmem>> -> memref<128xi32, #tpu.memory_space<vmem>>
        %dma_wait3A_42 = arith.constant 0 : i32
        %dma_wait3A_43 = arith.constant 0 : i32
        %dma_wait3A_44 = tpu.memref_slice %arg9[%dma_wait3A_42, %dma_wait3A_43] : memref<10240x128xf32, #tpu.memory_space<vmem_shared>> -> memref<10240x128xf32, #tpu.memory_space<vmem_shared>>
        tpu.wait_indirect_dma semaphore(%run_scoped3A : memref<!tpu.dma_semaphore, #tpu.memory_space<semaphore_mem>>) src(%arg8 : memref<128x128xf32, #tpu.memory_space<vmem>>) dst(%dma_wait3A_44 : memref<10240x128xf32, #tpu.memory_space<vmem_shared>>)
        tpu.yield
      }) : () -> ()
    }
    %scan3A_18 = arith.constant 80 : i32
    %barrier3A_19 = arith.constant 0 : index
    tpu.barrier barrier_id(%barrier3A_19)
    %eq3A = arith.constant 0 : i32
    %eq3A_20 = arith.cmpi eq, %arg1, %eq3A : i32
    %convert_element_type3A = arith.extui %eq3A_20 : i1 to i32
    %cond3A = arith.constant 0 : i32
    %cond3A_21 = arith.cmpi ne, %convert_element_type3A, %cond3A : i32
    scf.if %cond3A_21 {
      "tpu.region"() ({
        %run_scoped3A = tpu.sem_alloc : memref<!tpu.dma_semaphore, #tpu.memory_space<semaphore_mem>>
        %dma_start3A = arith.constant 0 : i32
        %dma_start3A_22 = arith.constant 0 : i32
        %dma_start3A_23 = tpu.memref_slice %arg5[%arg0, %dma_start3A, %dma_start3A_22] : memref<2x10240x128xf32, #tpu.memory_space<hbm>> -> memref<1x10240x128xf32, #tpu.memory_space<hbm>>
        %dma_start3A_24 = tpu.memref_squeeze %dma_start3A_23 : memref<1x10240x128xf32, #tpu.memory_space<hbm>> -> memref<10240x128xf32, #tpu.memory_space<hbm>>
        tpu.enqueue_dma source(%arg9 : memref<10240x128xf32, #tpu.memory_space<vmem_shared>>) target(%dma_start3A_24 : memref<10240x128xf32, #tpu.memory_space<hbm>>) target_semaphore(%run_scoped3A : memref<!tpu.dma_semaphore, #tpu.memory_space<semaphore_mem>>)
        %dma_wait3A = arith.constant 0 : i32
        %dma_wait3A_25 = arith.constant 0 : i32
        %dma_wait3A_26 = tpu.memref_slice %arg5[%arg0, %dma_wait3A, %dma_wait3A_25] : memref<2x10240x128xf32, #tpu.memory_space<hbm>> -> memref<1x10240x128xf32, #tpu.memory_space<hbm>>
        %dma_wait3A_27 = tpu.memref_squeeze %dma_wait3A_26 : memref<1x10240x128xf32, #tpu.memory_space<hbm>> -> memref<10240x128xf32, #tpu.memory_space<hbm>>
        tpu.wait_dma2 semaphore(%run_scoped3A : memref<!tpu.dma_semaphore, #tpu.memory_space<semaphore_mem>>) src(%arg9 : memref<10240x128xf32, #tpu.memory_space<vmem_shared>>) dst(%dma_wait3A_27 : memref<10240x128xf32, #tpu.memory_space<hbm>>)
        tpu.yield
      }) : () -> ()
    } else {
    }
    return
  }
}

#map = affine_map<(d0, d1) -> (0)>
#map1 = affine_map<(d0, d1) -> (0, 0)>
module attributes {stable_mosaic.version = 14 : i64} {
  func.func @_deg_kernel(%arg0: i32, %arg1: i32, %arg2: memref<320000xi32, #tpu.memory_space<hbm>>, %arg3: memref<32x10000xf32, #tpu.memory_space<hbm>>, %arg4: memref<10000xi32, #tpu.memory_space<vmem>>, %arg5: memref<10000xf32, #tpu.memory_space<vmem>>) attributes {dimension_semantics = [#tpu.dimension_semantics<core_parallel>, #tpu.dimension_semantics<subcore_parallel>], iteration_bounds = array<i64: 2, 16>, scalar_prefetch = 0 : i64, scratch_operands = 2 : i64, tpu.core_type = #tpu.core_type<sc_vector_subcore>, window_params = [{transform_indices = #map}, {transform_indices = #map1}]} {
    %mul3A = arith.constant 2 : i32
    %mul3A_0 = arith.muli %arg1, %mul3A : i32
    %add3A = arith.addi %mul3A_0, %arg0 : i32
    %mul3A_1 = arith.constant 10000 : i32
    %mul3A_2 = arith.muli %add3A, %mul3A_1 : i32
    "tpu.region"() ({
      %run_scoped3A = tpu.sem_alloc : memref<!tpu.dma_semaphore, #tpu.memory_space<semaphore_mem>>
      %dma_start3A = tpu.memref_slice %arg2[%mul3A_2] : memref<320000xi32, #tpu.memory_space<hbm>> -> memref<10000xi32, #tpu.memory_space<hbm>>
      %dma_start3A_17 = tpu.memref_slice %arg2[%mul3A_2] : memref<320000xi32, #tpu.memory_space<hbm>> -> memref<10000xi32, #tpu.memory_space<hbm>>
      tpu.enqueue_dma source(%dma_start3A_17 : memref<10000xi32, #tpu.memory_space<hbm>>) target(%arg4 : memref<10000xi32, #tpu.memory_space<vmem>>) target_semaphore(%run_scoped3A : memref<!tpu.dma_semaphore, #tpu.memory_space<semaphore_mem>>)
      %dma_wait3A = tpu.memref_slice %arg2[%mul3A_2] : memref<320000xi32, #tpu.memory_space<hbm>> -> memref<10000xi32, #tpu.memory_space<hbm>>
      %dma_wait3A_18 = tpu.memref_slice %arg2[%mul3A_2] : memref<320000xi32, #tpu.memory_space<hbm>> -> memref<10000xi32, #tpu.memory_space<hbm>>
      tpu.wait_dma2 semaphore(%run_scoped3A : memref<!tpu.dma_semaphore, #tpu.memory_space<semaphore_mem>>) src(%dma_wait3A_18 : memref<10000xi32, #tpu.memory_space<hbm>>) dst(%arg4 : memref<10000xi32, #tpu.memory_space<vmem>>)
      tpu.yield
    }) : () -> ()
    %broadcast_in_dim3A = arith.constant 0.000000e+00 : f32
    %broadcast_in_dim3A_3 = vector.broadcast %broadcast_in_dim3A : f32 to vector<16xf32>
    %broadcast_in_dim3A_4 = arith.constant 1.000000e+00 : f32
    %broadcast_in_dim3A_5 = vector.broadcast %broadcast_in_dim3A_4 : f32 to vector<16xf32>
    %scan3A = arith.constant 0 : i32
    %scan3A_6 = arith.constant 0 : i32
    %scan3A_7 = arith.constant 625 : i32
    %scan3A_8 = arith.addi %scan3A_6, %scan3A_7 : i32
    %scan3A_9 = arith.constant 1 : i32
    scf.for %scan3A_17 = %scan3A_6 to %scan3A_8 step %scan3A_9  : i32 {
      %mul3A_18 = arith.constant 16 : i32
      %mul3A_19 = arith.muli %scan3A_17, %mul3A_18 : i32
      %swap3A = arith.index_cast %mul3A_19 : i32 to index
      %swap3A_20 = tpu.vector_load %arg5[%swap3A] {strides = array<i32>} : memref<10000xf32, #tpu.memory_space<vmem>>, vector<16xf32>,
      tpu.vector_store %arg5[%swap3A], %broadcast_in_dim3A_3 {strides = array<i32>} : memref<10000xf32, #tpu.memory_space<vmem>>, vector<16xf32>,
    }
    %scan3A_10 = arith.constant 625 : i32
    %scan3A_11 = arith.constant 0 : i32
    %scan3A_12 = arith.constant 0 : i32
    %scan3A_13 = arith.constant 625 : i32
    %scan3A_14 = arith.addi %scan3A_12, %scan3A_13 : i32
    %scan3A_15 = arith.constant 1 : i32
    scf.for %scan3A_17 = %scan3A_12 to %scan3A_14 step %scan3A_15  : i32 {
      %mul3A_18 = arith.constant 16 : i32
      %mul3A_19 = arith.muli %scan3A_17, %mul3A_18 : i32
      %get3A = arith.index_cast %mul3A_19 : i32 to index
      %get3A_20 = tpu.vector_load %arg4[%get3A] {strides = array<i32>} : memref<10000xi32, #tpu.memory_space<vmem>>, vector<16xi32>,
      tpu.vector_store_idx %arg5[%get3A_20], %broadcast_in_dim3A_5 {add = true} : memref<10000xf32, #tpu.memory_space<vmem>>[vector<16xi32>], vector<16xf32>,
    }
    %scan3A_16 = arith.constant 625 : i32
    "tpu.region"() ({
      %run_scoped3A = tpu.sem_alloc : memref<!tpu.dma_semaphore, #tpu.memory_space<semaphore_mem>>
      %dma_start3A = arith.constant 0 : i32
      %dma_start3A_17 = tpu.memref_slice %arg3[%add3A, %dma_start3A] : memref<32x10000xf32, #tpu.memory_space<hbm>> -> memref<1x10000xf32, #tpu.memory_space<hbm>>
      %dma_start3A_18 = tpu.memref_squeeze %dma_start3A_17 : memref<1x10000xf32, #tpu.memory_space<hbm>> -> memref<10000xf32, #tpu.memory_space<hbm>>
      %dma_start3A_19 = arith.constant 0 : i32
      %dma_start3A_20 = tpu.memref_slice %arg3[%add3A, %dma_start3A_19] : memref<32x10000xf32, #tpu.memory_space<hbm>> -> memref<1x10000xf32, #tpu.memory_space<hbm>>
      %dma_start3A_21 = tpu.memref_squeeze %dma_start3A_20 : memref<1x10000xf32, #tpu.memory_space<hbm>> -> memref<10000xf32, #tpu.memory_space<hbm>>
      tpu.enqueue_dma source(%arg5 : memref<10000xf32, #tpu.memory_space<vmem>>) target(%dma_start3A_21 : memref<10000xf32, #tpu.memory_space<hbm>>) target_semaphore(%run_scoped3A : memref<!tpu.dma_semaphore, #tpu.memory_space<semaphore_mem>>)
      %dma_wait3A = arith.constant 0 : i32
      %dma_wait3A_22 = tpu.memref_slice %arg3[%add3A, %dma_wait3A] : memref<32x10000xf32, #tpu.memory_space<hbm>> -> memref<1x10000xf32, #tpu.memory_space<hbm>>
      %dma_wait3A_23 = tpu.memref_squeeze %dma_wait3A_22 : memref<1x10000xf32, #tpu.memory_space<hbm>> -> memref<10000xf32, #tpu.memory_space<hbm>>
      %dma_wait3A_24 = arith.constant 0 : i32
      %dma_wait3A_25 = tpu.memref_slice %arg3[%add3A, %dma_wait3A_24] : memref<32x10000xf32, #tpu.memory_space<hbm>> -> memref<1x10000xf32, #tpu.memory_space<hbm>>
      %dma_wait3A_26 = tpu.memref_squeeze %dma_wait3A_25 : memref<1x10000xf32, #tpu.memory_space<hbm>> -> memref<10000xf32, #tpu.memory_space<hbm>>
      tpu.wait_dma2 semaphore(%run_scoped3A : memref<!tpu.dma_semaphore, #tpu.memory_space<semaphore_mem>>) src(%arg5 : memref<10000xf32, #tpu.memory_space<vmem>>) dst(%dma_wait3A_26 : memref<10000xf32, #tpu.memory_space<hbm>>)
      tpu.yield
    }) : () -> ()
    return
  }
}

#map = affine_map<(d0, d1) -> (0, 0)>
#map1 = affine_map<(d0, d1) -> (0, 0, 0)>
module attributes {stable_mosaic.version = 14 : i64} {
  func.func @_scatter_kernel(%arg0: i32, %arg1: i32, %arg2: memref<10000x128xf32, #tpu.memory_space<hbm>>, %arg3: memref<32x80x128xi32, #tpu.memory_space<hbm>>, %arg4: memref<32x80x128xi32, #tpu.memory_space<hbm>>, %arg5: memref<2x10240x128xf32, #tpu.memory_space<hbm>>, %arg6: memref<80x128xi32, #tpu.memory_space<vmem>>, %arg7: memref<80x128xi32, #tpu.memory_space<vmem>>, %arg8: memref<128x128xf32, #tpu.memory_space<vmem>>, %arg9: memref<10240x128xf32, #tpu.memory_space<vmem_shared>>, %arg10: memref<!tpu.dma_semaphore, #tpu.memory_space<semaphore_mem>>) attributes {dimension_semantics = [#tpu.dimension_semantics<core_parallel>, #tpu.dimension_semantics<subcore_parallel>], iteration_bounds = array<i64: 2, 16>, scalar_prefetch = 0 : i64, scratch_operands = 5 : i64, tpu.core_type = #tpu.core_type<sc_vector_subcore>, window_params = [{transform_indices = #map}, {transform_indices = #map1}, {transform_indices = #map1}, {transform_indices = #map1}]} {
    %mul3A = arith.constant 2 : i32
    %mul3A_0 = arith.muli %arg1, %mul3A : i32
    %add3A = arith.addi %mul3A_0, %arg0 : i32
    %broadcast_in_dim3A = arith.constant 0.000000e+00 : f32
    %broadcast_in_dim3A_1 = vector.broadcast %broadcast_in_dim3A : f32 to vector<16xf32>
    %scan3A = arith.constant 0 : i32
    %scan3A_2 = arith.constant 0 : i32
    %scan3A_3 = arith.constant 128 : i32
    %scan3A_4 = arith.addi %scan3A_2, %scan3A_3 : i32
    %scan3A_5 = arith.constant 1 : i32
    scf.for %scan3A_22 = %scan3A_2 to %scan3A_4 step %scan3A_5  : i32 {
      %swap3A = arith.index_cast %scan3A_22 : i32 to index
      %swap3A_23 = arith.constant 0 : index
      %swap3A_24 = tpu.vector_load %arg8[%swap3A, %swap3A_23] {strides = array<i32>} : memref<128x128xf32, #tpu.memory_space<vmem>>, vector<16xf32>,
      tpu.vector_store %arg8[%swap3A, %swap3A_23], %broadcast_in_dim3A_1 {strides = array<i32>} : memref<128x128xf32, #tpu.memory_space<vmem>>, vector<16xf32>,
      %swap3A_25 = arith.index_cast %scan3A_22 : i32 to index
      %swap3A_26 = arith.constant 16 : index
      %swap3A_27 = tpu.vector_load %arg8[%swap3A_25, %swap3A_26] {strides = array<i32>} : memref<128x128xf32, #tpu.memory_space<vmem>>, vector<16xf32>,
      tpu.vector_store %arg8[%swap3A_25, %swap3A_26], %broadcast_in_dim3A_1 {strides = array<i32>} : memref<128x128xf32, #tpu.memory_space<vmem>>, vector<16xf32>,
      %swap3A_28 = arith.index_cast %scan3A_22 : i32 to index
      %swap3A_29 = arith.constant 32 : index
      %swap3A_30 = tpu.vector_load %arg8[%swap3A_28, %swap3A_29] {strides = array<i32>} : memref<128x128xf32, #tpu.memory_space<vmem>>, vector<16xf32>,
      tpu.vector_store %arg8[%swap3A_28, %swap3A_29], %broadcast_in_dim3A_1 {strides = array<i32>} : memref<128x128xf32, #tpu.memory_space<vmem>>, vector<16xf32>,
      %swap3A_31 = arith.index_cast %scan3A_22 : i32 to index
      %swap3A_32 = arith.constant 48 : index
      %swap3A_33 = tpu.vector_load %arg8[%swap3A_31, %swap3A_32] {strides = array<i32>} : memref<128x128xf32, #tpu.memory_space<vmem>>, vector<16xf32>,
      tpu.vector_store %arg8[%swap3A_31, %swap3A_32], %broadcast_in_dim3A_1 {strides = array<i32>} : memref<128x128xf32, #tpu.memory_space<vmem>>, vector<16xf32>,
      %swap3A_34 = arith.index_cast %scan3A_22 : i32 to index
      %swap3A_35 = arith.constant 64 : index
      %swap3A_36 = tpu.vector_load %arg8[%swap3A_34, %swap3A_35] {strides = array<i32>} : memref<128x128xf32, #tpu.memory_space<vmem>>, vector<16xf32>,
      tpu.vector_store %arg8[%swap3A_34, %swap3A_35], %broadcast_in_dim3A_1 {strides = array<i32>} : memref<128x128xf32, #tpu.memory_space<vmem>>, vector<16xf32>,
      %swap3A_37 = arith.index_cast %scan3A_22 : i32 to index
      %swap3A_38 = arith.constant 80 : index
      %swap3A_39 = tpu.vector_load %arg8[%swap3A_37, %swap3A_38] {strides = array<i32>} : memref<128x128xf32, #tpu.memory_space<vmem>>, vector<16xf32>,
      tpu.vector_store %arg8[%swap3A_37, %swap3A_38], %broadcast_in_dim3A_1 {strides = array<i32>} : memref<128x128xf32, #tpu.memory_space<vmem>>, vector<16xf32>,
      %swap3A_40 = arith.index_cast %scan3A_22 : i32 to index
      %swap3A_41 = arith.constant 96 : index
      %swap3A_42 = tpu.vector_load %arg8[%swap3A_40, %swap3A_41] {strides = array<i32>} : memref<128x128xf32, #tpu.memory_space<vmem>>, vector<16xf32>,
      tpu.vector_store %arg8[%swap3A_40, %swap3A_41], %broadcast_in_dim3A_1 {strides = array<i32>} : memref<128x128xf32, #tpu.memory_space<vmem>>, vector<16xf32>,
      %swap3A_43 = arith.index_cast %scan3A_22 : i32 to index
      %swap3A_44 = arith.constant 112 : index
      %swap3A_45 = tpu.vector_load %arg8[%swap3A_43, %swap3A_44] {strides = array<i32>} : memref<128x128xf32, #tpu.memory_space<vmem>>, vector<16xf32>,
      tpu.vector_store %arg8[%swap3A_43, %swap3A_44], %broadcast_in_dim3A_1 {strides = array<i32>} : memref<128x128xf32, #tpu.memory_space<vmem>>, vector<16xf32>,
    }
    %scan3A_6 = arith.constant 128 : i32
    %scan3A_7 = arith.constant 0 : i32
    %scan3A_8 = arith.constant 0 : i32
    %scan3A_9 = arith.constant 5 : i32
    %scan3A_10 = arith.addi %scan3A_8, %scan3A_9 : i32
    %scan3A_11 = arith.constant 1 : i32
    scf.for %scan3A_22 = %scan3A_8 to %scan3A_10 step %scan3A_11  : i32 {
      %mul3A_23 = arith.constant 640 : i32
      %mul3A_24 = arith.muli %arg1, %mul3A_23 : i32
      %mul3A_25 = arith.constant 128 : i32
      %mul3A_26 = arith.muli %scan3A_22, %mul3A_25 : i32
      %add3A_27 = arith.addi %mul3A_24, %mul3A_26 : i32
      "tpu.region"() ({
        %run_scoped3A = tpu.sem_alloc : memref<!tpu.dma_semaphore, #tpu.memory_space<semaphore_mem>>
        %dma_start3A = arith.constant 0 : i32
        %dma_start3A_28 = tpu.memref_slice %arg9[%add3A_27, %dma_start3A] : memref<10240x128xf32, #tpu.memory_space<vmem_shared>> -> memref<128x128xf32, #tpu.memory_space<vmem_shared>>
        %dma_start3A_29 = arith.constant 0 : i32
        %dma_start3A_30 = tpu.memref_slice %arg9[%add3A_27, %dma_start3A_29] : memref<10240x128xf32, #tpu.memory_space<vmem_shared>> -> memref<128x128xf32, #tpu.memory_space<vmem_shared>>
        tpu.enqueue_dma source(%arg8 : memref<128x128xf32, #tpu.memory_space<vmem>>) target(%dma_start3A_30 : memref<128x128xf32, #tpu.memory_space<vmem_shared>>) target_semaphore(%run_scoped3A : memref<!tpu.dma_semaphore, #tpu.memory_space<semaphore_mem>>)
        %dma_wait3A = arith.constant 0 : i32
        %dma_wait3A_31 = tpu.memref_slice %arg9[%add3A_27, %dma_wait3A] : memref<10240x128xf32, #tpu.memory_space<vmem_shared>> -> memref<128x128xf32, #tpu.memory_space<vmem_shared>>
        %dma_wait3A_32 = arith.constant 0 : i32
        %dma_wait3A_33 = tpu.memref_slice %arg9[%add3A_27, %dma_wait3A_32] : memref<10240x128xf32, #tpu.memory_space<vmem_shared>> -> memref<128x128xf32, #tpu.memory_space<vmem_shared>>
        tpu.wait_dma2 semaphore(%run_scoped3A : memref<!tpu.dma_semaphore, #tpu.memory_space<semaphore_mem>>) src(%arg8 : memref<128x128xf32, #tpu.memory_space<vmem>>) dst(%dma_wait3A_33 : memref<128x128xf32, #tpu.memory_space<vmem_shared>>)
        tpu.yield
      }) : () -> ()
    }
    %scan3A_12 = arith.constant 5 : i32
    "tpu.region"() ({
      %run_scoped3A = tpu.sem_alloc : memref<!tpu.dma_semaphore, #tpu.memory_space<semaphore_mem>>
      %dma_start3A = arith.constant 0 : i32
      %dma_start3A_22 = arith.constant 0 : i32
      %dma_start3A_23 = tpu.memref_slice %arg3[%add3A, %dma_start3A, %dma_start3A_22] : memref<32x80x128xi32, #tpu.memory_space<hbm>> -> memref<1x80x128xi32, #tpu.memory_space<hbm>>
      %dma_start3A_24 = tpu.memref_squeeze %dma_start3A_23 : memref<1x80x128xi32, #tpu.memory_space<hbm>> -> memref<80x128xi32, #tpu.memory_space<hbm>>
      %dma_start3A_25 = arith.constant 0 : i32
      %dma_start3A_26 = arith.constant 0 : i32
      %dma_start3A_27 = tpu.memref_slice %arg3[%add3A, %dma_start3A_25, %dma_start3A_26] : memref<32x80x128xi32, #tpu.memory_space<hbm>> -> memref<1x80x128xi32, #tpu.memory_space<hbm>>
      %dma_start3A_28 = tpu.memref_squeeze %dma_start3A_27 : memref<1x80x128xi32, #tpu.memory_space<hbm>> -> memref<80x128xi32, #tpu.memory_space<hbm>>
      tpu.enqueue_dma source(%dma_start3A_28 : memref<80x128xi32, #tpu.memory_space<hbm>>) target(%arg6 : memref<80x128xi32, #tpu.memory_space<vmem>>) target_semaphore(%run_scoped3A : memref<!tpu.dma_semaphore, #tpu.memory_space<semaphore_mem>>)
      %dma_wait3A = arith.constant 0 : i32
      %dma_wait3A_29 = arith.constant 0 : i32
      %dma_wait3A_30 = tpu.memref_slice %arg3[%add3A, %dma_wait3A, %dma_wait3A_29] : memref<32x80x128xi32, #tpu.memory_space<hbm>> -> memref<1x80x128xi32, #tpu.memory_space<hbm>>
      %dma_wait3A_31 = tpu.memref_squeeze %dma_wait3A_30 : memref<1x80x128xi32, #tpu.memory_space<hbm>> -> memref<80x128xi32, #tpu.memory_space<hbm>>
      %dma_wait3A_32 = arith.constant 0 : i32
      %dma_wait3A_33 = arith.constant 0 : i32
      %dma_wait3A_34 = tpu.memref_slice %arg3[%add3A, %dma_wait3A_32, %dma_wait3A_33] : memref<32x80x128xi32, #tpu.memory_space<hbm>> -> memref<1x80x128xi32, #tpu.memory_space<hbm>>
      %dma_wait3A_35 = tpu.memref_squeeze %dma_wait3A_34 : memref<1x80x128xi32, #tpu.memory_space<hbm>> -> memref<80x128xi32, #tpu.memory_space<hbm>>
      tpu.wait_dma2 semaphore(%run_scoped3A : memref<!tpu.dma_semaphore, #tpu.memory_space<semaphore_mem>>) src(%dma_wait3A_35 : memref<80x128xi32, #tpu.memory_space<hbm>>) dst(%arg6 : memref<80x128xi32, #tpu.memory_space<vmem>>)
      tpu.yield
    }) : () -> ()
    "tpu.region"() ({
      %run_scoped3A = tpu.sem_alloc : memref<!tpu.dma_semaphore, #tpu.memory_space<semaphore_mem>>
      %dma_start3A = arith.constant 0 : i32
      %dma_start3A_22 = arith.constant 0 : i32
      %dma_start3A_23 = tpu.memref_slice %arg4[%add3A, %dma_start3A, %dma_start3A_22] : memref<32x80x128xi32, #tpu.memory_space<hbm>> -> memref<1x80x128xi32, #tpu.memory_space<hbm>>
      %dma_start3A_24 = tpu.memref_squeeze %dma_start3A_23 : memref<1x80x128xi32, #tpu.memory_space<hbm>> -> memref<80x128xi32, #tpu.memory_space<hbm>>
      %dma_start3A_25 = arith.constant 0 : i32
      %dma_start3A_26 = arith.constant 0 : i32
      %dma_start3A_27 = tpu.memref_slice %arg4[%add3A, %dma_start3A_25, %dma_start3A_26] : memref<32x80x128xi32, #tpu.memory_space<hbm>> -> memref<1x80x128xi32, #tpu.memory_space<hbm>>
      %dma_start3A_28 = tpu.memref_squeeze %dma_start3A_27 : memref<1x80x128xi32, #tpu.memory_space<hbm>> -> memref<80x128xi32, #tpu.memory_space<hbm>>
      tpu.enqueue_dma source(%dma_start3A_28 : memref<80x128xi32, #tpu.memory_space<hbm>>) target(%arg7 : memref<80x128xi32, #tpu.memory_space<vmem>>) target_semaphore(%run_scoped3A : memref<!tpu.dma_semaphore, #tpu.memory_space<semaphore_mem>>)
      %dma_wait3A = arith.constant 0 : i32
      %dma_wait3A_29 = arith.constant 0 : i32
      %dma_wait3A_30 = tpu.memref_slice %arg4[%add3A, %dma_wait3A, %dma_wait3A_29] : memref<32x80x128xi32, #tpu.memory_space<hbm>> -> memref<1x80x128xi32, #tpu.memory_space<hbm>>
      %dma_wait3A_31 = tpu.memref_squeeze %dma_wait3A_30 : memref<1x80x128xi32, #tpu.memory_space<hbm>> -> memref<80x128xi32, #tpu.memory_space<hbm>>
      %dma_wait3A_32 = arith.constant 0 : i32
      %dma_wait3A_33 = arith.constant 0 : i32
      %dma_wait3A_34 = tpu.memref_slice %arg4[%add3A, %dma_wait3A_32, %dma_wait3A_33] : memref<32x80x128xi32, #tpu.memory_space<hbm>> -> memref<1x80x128xi32, #tpu.memory_space<hbm>>
      %dma_wait3A_35 = tpu.memref_squeeze %dma_wait3A_34 : memref<1x80x128xi32, #tpu.memory_space<hbm>> -> memref<80x128xi32, #tpu.memory_space<hbm>>
      tpu.wait_dma2 semaphore(%run_scoped3A : memref<!tpu.dma_semaphore, #tpu.memory_space<semaphore_mem>>) src(%dma_wait3A_35 : memref<80x128xi32, #tpu.memory_space<hbm>>) dst(%arg7 : memref<80x128xi32, #tpu.memory_space<vmem>>)
      tpu.yield
    }) : () -> ()
    %barrier3A = arith.constant 0 : index
    tpu.barrier barrier_id(%barrier3A)
    %scan3A_13 = arith.constant 0 : i32
    %scan3A_14 = arith.constant 0 : i32
    %scan3A_15 = arith.constant 80 : i32
    %scan3A_16 = arith.addi %scan3A_14, %scan3A_15 : i32
    %scan3A_17 = arith.constant 1 : i32
    scf.for %scan3A_22 = %scan3A_14 to %scan3A_16 step %scan3A_17  : i32 {
      %dma_start3A = arith.constant 0 : i32
      %dma_start3A_23 = tpu.memref_slice %arg6[%scan3A_22, %dma_start3A] : memref<80x128xi32, #tpu.memory_space<vmem>> -> memref<1x128xi32, #tpu.memory_space<vmem>>
      %dma_start3A_24 = tpu.memref_squeeze %dma_start3A_23 : memref<1x128xi32, #tpu.memory_space<vmem>> -> memref<128xi32, #tpu.memory_space<vmem>>
      %dma_start3A_25 = arith.constant 0 : i32
      %dma_start3A_26 = arith.constant 0 : i32
      %dma_start3A_27 = tpu.memref_slice %arg2[%dma_start3A_25, %dma_start3A_26] : memref<10000x128xf32, #tpu.memory_space<hbm>> -> memref<10000x128xf32, #tpu.memory_space<hbm>>
      tpu.enqueue_indirect_dma source(%dma_start3A_27 : memref<10000x128xf32, #tpu.memory_space<hbm>>) target(%arg8 : memref<128x128xf32, #tpu.memory_space<vmem>>) offsets(%dma_start3A_24 : memref<128xi32, #tpu.memory_space<vmem>>) semaphore(%arg10 : memref<!tpu.dma_semaphore, #tpu.memory_space<semaphore_mem>>)
      %dma_wait3A = arith.constant 0 : i32
      %dma_wait3A_28 = tpu.memref_slice %arg6[%scan3A_22, %dma_wait3A] : memref<80x128xi32, #tpu.memory_space<vmem>> -> memref<1x128xi32, #tpu.memory_space<vmem>>
      %dma_wait3A_29 = tpu.memref_squeeze %dma_wait3A_28 : memref<1x128xi32, #tpu.memory_space<vmem>> -> memref<128xi32, #tpu.memory_space<vmem>>
      %dma_wait3A_30 = arith.constant 0 : i32
      %dma_wait3A_31 = arith.constant 0 : i32
      %dma_wait3A_32 = tpu.memref_slice %arg2[%dma_wait3A_30, %dma_wait3A_31] : memref<10000x128xf32, #tpu.memory_space<hbm>> -> memref<10000x128xf32, #tpu.memory_space<hbm>>
      tpu.wait_indirect_dma semaphore(%arg10 : memref<!tpu.dma_semaphore, #tpu.memory_space<semaphore_mem>>) src(%dma_wait3A_32 : memref<10000x128xf32, #tpu.memory_space<hbm>>) dst(%arg8 : memref<128x128xf32, #tpu.memory_space<vmem>>)
      "tpu.region"() ({
        %run_scoped3A = tpu.sem_alloc : memref<!tpu.dma_semaphore, #tpu.memory_space<semaphore_mem>>
        %dma_start3A_33 = arith.constant 0 : i32
        %dma_start3A_34 = tpu.memref_slice %arg7[%scan3A_22, %dma_start3A_33] : memref<80x128xi32, #tpu.memory_space<vmem>> -> memref<1x128xi32, #tpu.memory_space<vmem>>
        %dma_start3A_35 = tpu.memref_squeeze %dma_start3A_34 : memref<1x128xi32, #tpu.memory_space<vmem>> -> memref<128xi32, #tpu.memory_space<vmem>>
        %dma_start3A_36 = arith.constant 0 : i32
        %dma_start3A_37 = arith.constant 0 : i32
        %dma_start3A_38 = tpu.memref_slice %arg9[%dma_start3A_36, %dma_start3A_37] : memref<10240x128xf32, #tpu.memory_space<vmem_shared>> -> memref<10240x128xf32, #tpu.memory_space<vmem_shared>>
        tpu.enqueue_indirect_dma source(%arg8 : memref<128x128xf32, #tpu.memory_space<vmem>>) target(%dma_start3A_38 : memref<10240x128xf32, #tpu.memory_space<vmem_shared>>) offsets(%dma_start3A_35 : memref<128xi32, #tpu.memory_space<vmem>>) semaphore(%run_scoped3A : memref<!tpu.dma_semaphore, #tpu.memory_space<semaphore_mem>>) {add = true}
        %dma_wait3A_39 = arith.constant 0 : i32
        %dma_wait3A_40 = tpu.memref_slice %arg7[%scan3A_22, %dma_wait3A_39] : memref<80x128xi32, #tpu.memory_space<vmem>> -> memref<1x128xi32, #tpu.memory_space<vmem>>
        %dma_wait3A_41 = tpu.memref_squeeze %dma_wait3A_40 : memref<1x128xi32, #tpu.memory_space<vmem>> -> memref<128xi32, #tpu.memory_space<vmem>>
        %dma_wait3A_42 = arith.constant 0 : i32
        %dma_wait3A_43 = arith.constant 0 : i32
        %dma_wait3A_44 = tpu.memref_slice %arg9[%dma_wait3A_42, %dma_wait3A_43] : memref<10240x128xf32, #tpu.memory_space<vmem_shared>> -> memref<10240x128xf32, #tpu.memory_space<vmem_shared>>
        tpu.wait_indirect_dma semaphore(%run_scoped3A : memref<!tpu.dma_semaphore, #tpu.memory_space<semaphore_mem>>) src(%arg8 : memref<128x128xf32, #tpu.memory_space<vmem>>) dst(%dma_wait3A_44 : memref<10240x128xf32, #tpu.memory_space<vmem_shared>>)
        tpu.yield
      }) : () -> ()
    }
    %scan3A_18 = arith.constant 80 : i32
    %barrier3A_19 = arith.constant 0 : index
    tpu.barrier barrier_id(%barrier3A_19)
    %eq3A = arith.constant 0 : i32
    %eq3A_20 = arith.cmpi eq, %arg1, %eq3A : i32
    %convert_element_type3A = arith.extui %eq3A_20 : i1 to i32
    %cond3A = arith.constant 0 : i32
    %cond3A_21 = arith.cmpi ne, %convert_element_type3A, %cond3A : i32
    scf.if %cond3A_21 {
      "tpu.region"() ({
        %run_scoped3A = tpu.sem_alloc : memref<!tpu.dma_semaphore, #tpu.memory_space<semaphore_mem>>
        %dma_start3A = arith.constant 0 : i32
        %dma_start3A_22 = arith.constant 0 : i32
        %dma_start3A_23 = tpu.memref_slice %arg5[%arg0, %dma_start3A, %dma_start3A_22] : memref<2x10240x128xf32, #tpu.memory_space<hbm>> -> memref<1x10240x128xf32, #tpu.memory_space<hbm>>
        %dma_start3A_24 = tpu.memref_squeeze %dma_start3A_23 : memref<1x10240x128xf32, #tpu.memory_space<hbm>> -> memref<10240x128xf32, #tpu.memory_space<hbm>>
        tpu.enqueue_dma source(%arg9 : memref<10240x128xf32, #tpu.memory_space<vmem_shared>>) target(%dma_start3A_24 : memref<10240x128xf32, #tpu.memory_space<hbm>>) target_semaphore(%run_scoped3A : memref<!tpu.dma_semaphore, #tpu.memory_space<semaphore_mem>>)
        %dma_wait3A = arith.constant 0 : i32
        %dma_wait3A_25 = arith.constant 0 : i32
        %dma_wait3A_26 = tpu.memref_slice %arg5[%arg0, %dma_wait3A, %dma_wait3A_25] : memref<2x10240x128xf32, #tpu.memory_space<hbm>> -> memref<1x10240x128xf32, #tpu.memory_space<hbm>>
        %dma_wait3A_27 = tpu.memref_squeeze %dma_wait3A_26 : memref<1x10240x128xf32, #tpu.memory_space<hbm>> -> memref<10240x128xf32, #tpu.memory_space<hbm>>
        tpu.wait_dma2 semaphore(%run_scoped3A : memref<!tpu.dma_semaphore, #tpu.memory_space<semaphore_mem>>) src(%arg9 : memref<10240x128xf32, #tpu.memory_space<vmem_shared>>) dst(%dma_wait3A_27 : memref<10240x128xf32, #tpu.memory_space<hbm>>)
        tpu.yield
      }) : () -> ()
    } else {
    }
    return
  }
}

module attributes {stable_mosaic.version = 14 : i64} {
  func.func @_mm1_body(%arg0: i32, %arg1: memref<1000x128xf32, #tpu.memory_space<vmem>>, %arg2: memref<128x128xf32, #tpu.memory_space<vmem>>, %arg3: memref<1000x32xf32, #tpu.memory_space<vmem>>, %arg4: memref<1000x128xf32, #tpu.memory_space<vmem>>, %arg5: memref<1000x1xf32, #tpu.memory_space<vmem>>) attributes {dimension_semantics = [#tpu.dimension_semantics<arbitrary>], iteration_bounds = array<i64: 10>, scalar_prefetch = 0 : i64, scratch_operands = 0 : i64, tpu.core_type = #tpu.core_type<tc>, window_params = [{transform_indices = @transform_0, window_bounds = array<i64: 1000, 128>}, {pipeline_mode = #tpu.pipeline_mode<synchronous>, transform_indices = @transform_1, window_bounds = array<i64: 128, 128>}, {transform_indices = @transform_2, window_bounds = array<i64: 1000, 32>}, {transform_indices = @transform_3, window_bounds = array<i64: 1000, 128>}, {transform_indices = @transform_4, window_bounds = array<i64: 1000, 1>}]} {
    %get3A = arith.constant 0 : index
    %get3A_0 = arith.constant 0 : index
    %get3A_1 = vector.load %arg3[%get3A, %get3A_0] : memref<1000x32xf32, #tpu.memory_space<vmem>>, vector<1000x32xf32>
    %reduce_sum3A = arith.constant dense<0.000000e+00> : vector<1000xf32>
    %reduce_sum3A_2 = vector.multi_reduction <add>, %get3A_1, %reduce_sum3A [1] : vector<1000x32xf32> to vector<1000xf32>
    %broadcast_in_dim3A = vector.shape_cast %reduce_sum3A_2 : vector<1000xf32> to vector<1000x1xf32>
    %add3A = arith.constant 1.000000e+00 : f32
    %add3A_3 = vector.broadcast %add3A : f32 to vector<1000x1xf32>
    %add3A_4 = arith.addf %broadcast_in_dim3A, %add3A_3 : vector<1000x1xf32>
    %rsqrt3A = math.rsqrt %add3A_4 : vector<1000x1xf32>
    %get3A_5 = arith.constant 0 : index
    %get3A_6 = arith.constant 0 : index
    %get3A_7 = vector.load %arg1[%get3A_5, %get3A_6] : memref<1000x128xf32, #tpu.memory_space<vmem>>, vector<1000x128xf32>
    %get3A_8 = arith.constant 0 : index
    %get3A_9 = arith.constant 0 : index
    %get3A_10 = vector.load %arg2[%get3A_8, %get3A_9] : memref<128x128xf32, #tpu.memory_space<vmem>>, vector<128x128xf32>
    %dot_general3A = arith.constant dense<0.000000e+00> : vector<1000x128xf32>
    %dot_general3A_11 = tpu.matmul %get3A_7, %get3A_10, %dot_general3A {dimension_numbers = #tpu.dot_dimension_numbers<[1], [0], [0], [1], [0, 0, 1, 1], [], []>, transpose_lhs_hint = false} : vector<1000x128xf32>, vector<128x128xf32>, vector<1000x128xf32> -> vector<1000x128xf32>
    %mul3A = vector.broadcast %rsqrt3A : vector<1000x1xf32> to vector<1000x128xf32>
    %mul3A_12 = arith.mulf %dot_general3A_11, %mul3A : vector<1000x128xf32>
    %swap3A = arith.constant 0 : index
    %swap3A_13 = arith.constant 0 : index
    %swap3A_14 = vector.load %arg4[%swap3A, %swap3A_13] : memref<1000x128xf32, #tpu.memory_space<vmem>>, vector<1000x128xf32>
    tpu.vector_store %arg4[%swap3A, %swap3A_13], %mul3A_12 {strides = array<i32>} : memref<1000x128xf32, #tpu.memory_space<vmem>>, vector<1000x128xf32>,
    %swap3A_15 = arith.constant 0 : index
    %swap3A_16 = arith.constant 0 : index
    %swap3A_17 = vector.load %arg5[%swap3A_15, %swap3A_16] : memref<1000x1xf32, #tpu.memory_space<vmem>>, vector<1000x1xf32>
    tpu.vector_store %arg5[%swap3A_15, %swap3A_16], %rsqrt3A {strides = array<i32>} : memref<1000x1xf32, #tpu.memory_space<vmem>>, vector<1000x1xf32>,
    return
  }
  func.func @transform_0(%arg0: i32) -> (i32, i32) {
    %c0_i32 = arith.constant 0 : i32
    %c0_i32_0 = arith.constant 0 : i32
    return %arg0, %c0_i32 : i32, i32
  }
  func.func @transform_1(%arg0: i32) -> (i32, i32) {
    %c0_i32 = arith.constant 0 : i32
    %c0_i32_0 = arith.constant 0 : i32
    %c0_i32_1 = arith.constant 0 : i32
    return %c0_i32, %c0_i32_0 : i32, i32
  }
  func.func @transform_2(%arg0: i32) -> (i32, i32) {
    %c0_i32 = arith.constant 0 : i32
    %c0_i32_0 = arith.constant 0 : i32
    return %arg0, %c0_i32 : i32, i32
  }
  func.func @transform_3(%arg0: i32) -> (i32, i32) {
    %c0_i32 = arith.constant 0 : i32
    %c0_i32_0 = arith.constant 0 : i32
    return %arg0, %c0_i32 : i32, i32
  }
  func.func @transform_4(%arg0: i32) -> (i32, i32) {
    %c0_i32 = arith.constant 0 : i32
    %c0_i32_0 = arith.constant 0 : i32
    return %arg0, %c0_i32 : i32, i32
  }
}

module attributes {stable_mosaic.version = 14 : i64} {
  func.func @_mid_body(%arg0: i32, %arg1: memref<2x1000x128xf32, #tpu.memory_space<vmem>>, %arg2: memref<1000x128xf32, #tpu.memory_space<vmem>>, %arg3: memref<1000x1xf32, #tpu.memory_space<vmem>>, %arg4: memref<1x128xf32, #tpu.memory_space<vmem>>, %arg5: memref<128x128xf32, #tpu.memory_space<vmem>>, %arg6: memref<1000x128xf32, #tpu.memory_space<vmem>>) attributes {dimension_semantics = [#tpu.dimension_semantics<arbitrary>], iteration_bounds = array<i64: 10>, scalar_prefetch = 0 : i64, scratch_operands = 0 : i64, tpu.core_type = #tpu.core_type<tc>, window_params = [{transform_indices = @transform_0, window_bounds = array<i64: 2, 1000, 128>}, {transform_indices = @transform_1, window_bounds = array<i64: 1000, 128>}, {transform_indices = @transform_2, window_bounds = array<i64: 1000, 1>}, {pipeline_mode = #tpu.pipeline_mode<synchronous>, transform_indices = @transform_3, window_bounds = array<i64: 1, 128>}, {pipeline_mode = #tpu.pipeline_mode<synchronous>, transform_indices = @transform_4, window_bounds = array<i64: 128, 128>}, {transform_indices = @transform_5, window_bounds = array<i64: 1000, 128>}]} {
    %get3A = arith.constant 0 : index
    %get3A_0 = arith.constant 0 : index
    %get3A_1 = arith.constant 0 : index
    %get3A_2 = vector.load %arg1[%get3A, %get3A_0, %get3A_1] : memref<2x1000x128xf32, #tpu.memory_space<vmem>>, vector<1x1000x128xf32>
    %get3A_3 = vector.shape_cast %get3A_2 : vector<1x1000x128xf32> to vector<1000x128xf32>
    %get3A_4 = arith.constant 1 : index
    %get3A_5 = arith.constant 0 : index
    %get3A_6 = arith.constant 0 : index
    %get3A_7 = vector.load %arg1[%get3A_4, %get3A_5, %get3A_6] : memref<2x1000x128xf32, #tpu.memory_space<vmem>>, vector<1x1000x128xf32>
    %get3A_8 = vector.shape_cast %get3A_7 : vector<1x1000x128xf32> to vector<1000x128xf32>
    %add3A = arith.addf %get3A_3, %get3A_8 : vector<1000x128xf32>
    %get3A_9 = arith.constant 0 : index
    %get3A_10 = arith.constant 0 : index
    %get3A_11 = vector.load %arg2[%get3A_9, %get3A_10] : memref<1000x128xf32, #tpu.memory_space<vmem>>, vector<1000x128xf32>
    %add3A_12 = arith.addf %add3A, %get3A_11 : vector<1000x128xf32>
    %get3A_13 = arith.constant 0 : index
    %get3A_14 = arith.constant 0 : index
    %get3A_15 = vector.load %arg3[%get3A_13, %get3A_14] : memref<1000x1xf32, #tpu.memory_space<vmem>>, vector<1000x1xf32>
    %mul3A = vector.broadcast %get3A_15 : vector<1000x1xf32> to vector<1000x128xf32>
    %mul3A_16 = arith.mulf %add3A_12, %mul3A : vector<1000x128xf32>
    %get3A_17 = arith.constant 0 : index
    %get3A_18 = arith.constant 0 : index
    %get3A_19 = vector.load %arg4[%get3A_17, %get3A_18] : memref<1x128xf32, #tpu.memory_space<vmem>>, vector<1x128xf32>
    %add3A_20 = vector.broadcast %get3A_19 : vector<1x128xf32> to vector<1000x128xf32>
    %add3A_21 = arith.addf %mul3A_16, %add3A_20 : vector<1000x128xf32>
    %max3A = arith.constant 0.000000e+00 : f32
    %max3A_22 = vector.broadcast %max3A : f32 to vector<1000x128xf32>
    %max3A_23 = arith.maximumf %add3A_21, %max3A_22 : vector<1000x128xf32>
    %get3A_24 = arith.constant 0 : index
    %get3A_25 = arith.constant 0 : index
    %get3A_26 = vector.load %arg5[%get3A_24, %get3A_25] : memref<128x128xf32, #tpu.memory_space<vmem>>, vector<128x128xf32>
    %dot_general3A = arith.constant dense<0.000000e+00> : vector<1000x128xf32>
    %dot_general3A_27 = tpu.matmul %max3A_23, %get3A_26, %dot_general3A {dimension_numbers = #tpu.dot_dimension_numbers<[1], [0], [0], [1], [0, 0, 1, 1], [], []>, transpose_lhs_hint = false} : vector<1000x128xf32>, vector<128x128xf32>, vector<1000x128xf32> -> vector<1000x128xf32>
    %get3A_28 = arith.constant 0 : index
    %get3A_29 = arith.constant 0 : index
    %get3A_30 = vector.load %arg3[%get3A_28, %get3A_29] : memref<1000x1xf32, #tpu.memory_space<vmem>>, vector<1000x1xf32>
    %mul3A_31 = vector.broadcast %get3A_30 : vector<1000x1xf32> to vector<1000x128xf32>
    %mul3A_32 = arith.mulf %dot_general3A_27, %mul3A_31 : vector<1000x128xf32>
    %swap3A = arith.constant 0 : index
    %swap3A_33 = arith.constant 0 : index
    %swap3A_34 = vector.load %arg6[%swap3A, %swap3A_33] : memref<1000x128xf32, #tpu.memory_space<vmem>>, vector<1000x128xf32>
    tpu.vector_store %arg6[%swap3A, %swap3A_33], %mul3A_32 {strides = array<i32>} : memref<1000x128xf32, #tpu.memory_space<vmem>>, vector<1000x128xf32>,
    return
  }
  func.func @transform_0(%arg0: i32) -> (i32, i32, i32) {
    %c0_i32 = arith.constant 0 : i32
    %c0_i32_0 = arith.constant 0 : i32
    %c0_i32_1 = arith.constant 0 : i32
    return %c0_i32, %arg0, %c0_i32_0 : i32, i32, i32
  }
  func.func @transform_1(%arg0: i32) -> (i32, i32) {
    %c0_i32 = arith.constant 0 : i32
    %c0_i32_0 = arith.constant 0 : i32
    return %arg0, %c0_i32 : i32, i32
  }
  func.func @transform_2(%arg0: i32) -> (i32, i32) {
    %c0_i32 = arith.constant 0 : i32
    %c0_i32_0 = arith.constant 0 : i32
    return %arg0, %c0_i32 : i32, i32
  }
  func.func @transform_3(%arg0: i32) -> (i32, i32) {
    %c0_i32 = arith.constant 0 : i32
    %c0_i32_0 = arith.constant 0 : i32
    %c0_i32_1 = arith.constant 0 : i32
    return %c0_i32, %c0_i32_0 : i32, i32
  }
  func.func @transform_4(%arg0: i32) -> (i32, i32) {
    %c0_i32 = arith.constant 0 : i32
    %c0_i32_0 = arith.constant 0 : i32
    %c0_i32_1 = arith.constant 0 : i32
    return %c0_i32, %c0_i32_0 : i32, i32
  }
  func.func @transform_5(%arg0: i32) -> (i32, i32) {
    %c0_i32 = arith.constant 0 : i32
    %c0_i32_0 = arith.constant 0 : i32
    return %arg0, %c0_i32 : i32, i32
  }
}

module attributes {stable_mosaic.version = 14 : i64} {
  func.func @_fin_body(%arg0: i32, %arg1: memref<2x1000x128xf32, #tpu.memory_space<vmem>>, %arg2: memref<1000x128xf32, #tpu.memory_space<vmem>>, %arg3: memref<1000x1xf32, #tpu.memory_space<vmem>>, %arg4: memref<1x128xf32, #tpu.memory_space<vmem>>, %arg5: memref<1000x128xf32, #tpu.memory_space<vmem>>) attributes {dimension_semantics = [#tpu.dimension_semantics<arbitrary>], iteration_bounds = array<i64: 10>, scalar_prefetch = 0 : i64, scratch_operands = 0 : i64, tpu.core_type = #tpu.core_type<tc>, window_params = [{transform_indices = @transform_0, window_bounds = array<i64: 2, 1000, 128>}, {transform_indices = @transform_1, window_bounds = array<i64: 1000, 128>}, {transform_indices = @transform_2, window_bounds = array<i64: 1000, 1>}, {pipeline_mode = #tpu.pipeline_mode<synchronous>, transform_indices = @transform_3, window_bounds = array<i64: 1, 128>}, {transform_indices = @transform_4, window_bounds = array<i64: 1000, 128>}]} {
    %get3A = arith.constant 0 : index
    %get3A_0 = arith.constant 0 : index
    %get3A_1 = arith.constant 0 : index
    %get3A_2 = vector.load %arg1[%get3A, %get3A_0, %get3A_1] : memref<2x1000x128xf32, #tpu.memory_space<vmem>>, vector<1x1000x128xf32>
    %get3A_3 = vector.shape_cast %get3A_2 : vector<1x1000x128xf32> to vector<1000x128xf32>
    %get3A_4 = arith.constant 1 : index
    %get3A_5 = arith.constant 0 : index
    %get3A_6 = arith.constant 0 : index
    %get3A_7 = vector.load %arg1[%get3A_4, %get3A_5, %get3A_6] : memref<2x1000x128xf32, #tpu.memory_space<vmem>>, vector<1x1000x128xf32>
    %get3A_8 = vector.shape_cast %get3A_7 : vector<1x1000x128xf32> to vector<1000x128xf32>
    %add3A = arith.addf %get3A_3, %get3A_8 : vector<1000x128xf32>
    %get3A_9 = arith.constant 0 : index
    %get3A_10 = arith.constant 0 : index
    %get3A_11 = vector.load %arg2[%get3A_9, %get3A_10] : memref<1000x128xf32, #tpu.memory_space<vmem>>, vector<1000x128xf32>
    %add3A_12 = arith.addf %add3A, %get3A_11 : vector<1000x128xf32>
    %get3A_13 = arith.constant 0 : index
    %get3A_14 = arith.constant 0 : index
    %get3A_15 = vector.load %arg3[%get3A_13, %get3A_14] : memref<1000x1xf32, #tpu.memory_space<vmem>>, vector<1000x1xf32>
    %mul3A = vector.broadcast %get3A_15 : vector<1000x1xf32> to vector<1000x128xf32>
    %mul3A_16 = arith.mulf %add3A_12, %mul3A : vector<1000x128xf32>
    %get3A_17 = arith.constant 0 : index
    %get3A_18 = arith.constant 0 : index
    %get3A_19 = vector.load %arg4[%get3A_17, %get3A_18] : memref<1x128xf32, #tpu.memory_space<vmem>>, vector<1x128xf32>
    %add3A_20 = vector.broadcast %get3A_19 : vector<1x128xf32> to vector<1000x128xf32>
    %add3A_21 = arith.addf %mul3A_16, %add3A_20 : vector<1000x128xf32>
    %swap3A = arith.constant 0 : index
    %swap3A_22 = arith.constant 0 : index
    %swap3A_23 = vector.load %arg5[%swap3A, %swap3A_22] : memref<1000x128xf32, #tpu.memory_space<vmem>>, vector<1000x128xf32>
    tpu.vector_store %arg5[%swap3A, %swap3A_22], %add3A_21 {strides = array<i32>} : memref<1000x128xf32, #tpu.memory_space<vmem>>, vector<1000x128xf32>,
    return
  }
  func.func @transform_0(%arg0: i32) -> (i32, i32, i32) {
    %c0_i32 = arith.constant 0 : i32
    %c0_i32_0 = arith.constant 0 : i32
    %c0_i32_1 = arith.constant 0 : i32
    return %c0_i32, %arg0, %c0_i32_0 : i32, i32, i32
  }
  func.func @transform_1(%arg0: i32) -> (i32, i32) {
    %c0_i32 = arith.constant 0 : i32
    %c0_i32_0 = arith.constant 0 : i32
    return %arg0, %c0_i32 : i32, i32
  }
  func.func @transform_2(%arg0: i32) -> (i32, i32) {
    %c0_i32 = arith.constant 0 : i32
    %c0_i32_0 = arith.constant 0 : i32
    return %arg0, %c0_i32 : i32, i32
  }
  func.func @transform_3(%arg0: i32) -> (i32, i32) {
    %c0_i32 = arith.constant 0 : i32
    %c0_i32_0 = arith.constant 0 : i32
    %c0_i32_1 = arith.constant 0 : i32
    return %c0_i32, %c0_i32_0 : i32, i32
  }
  func.func @transform_4(%arg0: i32) -> (i32, i32) {
    %c0_i32 = arith.constant 0 : i32
    %c0_i32_0 = arith.constant 0 : i32
    return %arg0, %c0_i32 : i32, i32
  }
}

</mosaic_0001>

<sc_bundles>
// kernel: kernel.10.cloned.1.call-start
scs
__scs_entry_jumppad:
0x0: {  	(pc) =	sbr.rel $0x88, $3  }
0x1: {  	(tag) =	ssettag $0x0;
	lr =	simm.s32 $0x1  }
0x2: {  	[smem:$0x3F99] =	sst lr;
	_ =	strace $0xD0000000  }
0x3: {  	_ = 	snop  }
0x4: {  	_ = 	snop  }
0x5: {  	_ = 	snop  }
0x6: {  	_ = 	snop  }
0x7: {  	_ = 	snop  }
__scs_overlays_trampoline_lowered:
0x8: {  	[smem:$0x3FA8] =	sst s0  }
0x9: {  	[smem:$0x3FA9] =	sst s1  }
0xa: {  	[smem:$0x3FAA] =	sst s2  }
0xb: {  	[smem:$0x3FAB] =	sst s3  }
0xc: {  	[smem:$0x3FAC] =	sst s4  }
0xd: {  	[smem:$0x3FAD] =	sst s5  }
0xe: {  	[smem:$0x3FAE] =	sst s6  }
0xf: {  	[smem:$0x3FAF] =	sst s7  }
0x10: {  	[smem:$0x3FB0] =	sst s8  }
0x11: {  	[smem:$0x3FB1] =	sst s9;
	s0 =	simm.s32 @!p0 $0x0  }
0x12: {  	s1 =	sld [smem:$0x3F97];
	s0 =	simm.s32 @p0 $0x1  }
0x13: {  	[smem:$0x3FB2] =	sst s0;
	s0 =	simm.s32 @!p1 $0x0  }
0x14: {  	s2 =	sld [smem:$0x3F96];
	s0 =	simm.s32 @p1 $0x1  }
0x15: {  	[smem:$0x3FB3] =	sst s0;
	s0 =	simm.s32 @!p2 $0x0  }
0x16: {  	s3 =	sld [smem:$0x3FDB];
	s0 =	simm.s32 @p2 $0x1  }
0x17: {  	s4 =	simm.s32 $0x1BF5;
	[smem:$0x3FB5] =	sst s0  }
0x18: {  	s0 =	sld [smem:$0x3F98];
	_ =	swait.ge [sflag:s4], $0x0  }
0x19: {  	s7 =	sld [smem:$0x3F99]  }
0x1a: {  	s8 =	sadd.s32 $0xFFFFE003, lr  }
0x1b: {  	s9 =	sadd.s32 $0xFFFFFEF7, lr;
	s5 =	simm.s32 $0xFFFFFFFF;
	p2 =	slt.u32 s8, $0xFFFFF086  }
0x1c: {  	p1 =	slt.u32 s9, $0xF7A;
	s5 =	simm.s32 @!p2 $0x0  }
0x1d: {  	s5 =	simm.s32 @p1 $0x1;
	p0 =	seq.s32 s7, s2  }
0x1e: {  	s7 =	smul.u32 @!p0 $0xF7A, s2;
	p2 =	seq.s32 @!p0 s5, $0x0  }
0x1f: {  	s9 =	smul.u32 $0xF7A, s1;
	s8 =	simm.s32 @!p0 $0x1BF5;
	p2 =	por !p2, p0  }
0x20: {  	[sflag:s8] =	ssyncset.s32 @!p0 $0xFFFFF086;
	s6 =	sadd.s32 @!p0 s3, s7;
	s7 =	simm.s32 @!p0 $0x108  }
0x21: {  	s3 =	sadd.s32 s3, s9;
	s6 =	sadd.s32 @!p0 $0x88, s6;
	s7 =	simm.s32 @p2 $0x1082  }
0x22: {  	[simem:s7], [sflag:s8] =	dma.local @!p0 [hbm:s6], $0xF7A  }
0x23: {  	s9 =	sor.u32 $0xD0000000, s2;
	s6 =	simm.s32 $0x108;
	_ =	swait.ge @!p0 [sflag:s8], $0x0  }
0x24: {  	s3 =	sadd.s32 $0x88, s3;
	s6 =	simm.s32 @!p1 $0x1082;
	[sflag:s4] =	ssyncset.s32 $0xFFFFF086  }
0x25: {  	[simem:s6], [sflag:s4] =	dma.local [hbm:s3], $0xF7A  }
0x26: {  	[smem:$0x3F99] =	sst s1;
	(tag) =	ssettag s2;
	_ =	strace s9  }
0x27: {  	s1 =	sld [smem:$0x3FA9]  }
0x28: {  	s2 =	sld [smem:$0x3FAA]  }
0x29: {  	s4 =	sld [smem:$0x3FAC]  }
0x2a: {  	p0 =	seq.s32 s5, $0x0;
	s5 =	sld [smem:$0x3FAD]  }
0x2b: {  	s6 =	sld [smem:$0x3FAE]  }
0x2c: {  	s7 =	sld [smem:$0x3FAF]  }
0x2d: {  	s3 =	simm.s32 $0x108;
	s8 =	sld [smem:$0x3FB0]  }
0x2e: {  	s3 =	simm.s32 @!p0 $0x1082;
	s9 =	sld [smem:$0x3FB1]  }
0x2f: {  	lr =	sadd.s32 s0, s3;
	s0 =	sld [smem:$0x3FA8]  }
0x30: {  	s3 =	sld [smem:$0x3FAB]  }
0x31: {  	[smem:$0x3FB4] =	sst s10  }
0x32: {  	s10 =	sld [smem:$0x3FB2];
	_ =	sdelay $0x3  }
0x33: {  	p0 =	seq.s32 s10, $0x1;
	s10 =	sld [smem:$0x3FB4];
	_ =	sdelay $0x3  }
0x34: {  	[smem:$0x3FB4] =	sst s10  }
0x35: {  	s10 =	sld [smem:$0x3FB3];
	_ =	sdelay $0x3  }
0x36: {  	p1 =	seq.s32 s10, $0x1;
	s10 =	sld [smem:$0x3FB4];
	_ =	sdelay $0x3  }
0x37: {  	[smem:$0x3FB4] =	sst s10  }
0x38: {  	s10 =	sld [smem:$0x3FB5]  }
0x39: {  	_ = 	snop;
	(pc) =	sbr.ind lr, $3  }
0x3a: {  	_ = 	snop  }
0x3b: {  	_ = 	snop  }
0x3c: {  	p2 =	seq.s32 s10, $0x1;
	s10 =	sld [smem:$0x3FB4]  }
0x3d: {  	_ =	shalt  }
0x3e: {  	_ =	shalt  }
0x3f: {  	_ =	shalt  }
0x40: {  	_ =	shalt  }
0x41: {  	_ =	shalt  }
0x42: {  	_ =	shalt  }
0x43: {  	_ =	shalt  }
0x44: {  	_ =	shalt  }
0x45: {  	_ =	shalt  }
0x46: {  	_ =	shalt  }
0x47: {  	_ =	shalt  }
0x48: {  	_ =	shalt  }
0x49: {  	_ =	shalt  }
0x4a: {  	_ =	shalt  }
0x4b: {  	_ =	shalt  }
0x4c: {  	_ =	shalt  }
0x4d: {  	_ =	shalt  }
0x4e: {  	_ =	shalt  }
0x4f: {  	_ =	shalt  }
0x50: {  	_ =	shalt  }
0x51: {  	_ =	shalt  }
0x52: {  	_ =	shalt  }
0x53: {  	_ =	shalt  }
0x54: {  	_ =	shalt  }
0x55: {  	_ =	shalt  }
0x56: {  	_ =	shalt  }
0x57: {  	_ =	shalt  }
0x58: {  	_ =	shalt  }
0x59: {  	_ =	shalt  }
0x5a: {  	_ =	shalt  }
0x5b: {  	_ =	shalt  }
0x5c: {  	_ =	shalt  }
0x5d: {  	_ =	shalt  }
0x5e: {  	_ =	shalt  }
0x5f: {  	_ =	shalt  }
0x60: {  	_ =	shalt  }
0x61: {  	_ =	shalt  }
0x62: {  	_ =	shalt  }
0x63: {  	_ =	shalt  }
0x64: {  	_ =	shalt  }
0x65: {  	_ =	shalt  }
0x66: {  	_ =	shalt  }
0x67: {  	_ =	shalt  }
0x68: {  	_ =	shalt  }
0x69: {  	_ =	shalt  }
0x6a: {  	_ =	shalt  }
0x6b: {  	_ =	shalt  }
0x6c: {  	_ =	shalt  }
0x6d: {  	_ =	shalt  }
0x6e: {  	_ =	shalt  }
0x6f: {  	_ =	shalt  }
0x70: {  	_ =	shalt  }
0x71: {  	_ =	shalt  }
0x72: {  	_ =	shalt  }
0x73: {  	_ =	shalt  }
0x74: {  	_ =	shalt  }
0x75: {  	_ =	shalt  }
0x76: {  	_ =	shalt  }
0x77: {  	_ =	shalt  }
0x78: {  	_ =	shalt  }
0x79: {  	_ =	shalt  }
0x7a: {  	_ =	shalt  }
0x7b: {  	_ =	shalt  }
0x7c: {  	_ =	shalt  }
0x7d: {  	_ =	shalt  }
0x7e: {  	_ =	shalt  }
0x7f: {  	_ =	shalt  }
0x80: {  	_ =	shalt  }
0x81: {  	_ =	shalt  }
0x82: {  	_ =	shalt  }
0x83: {  	_ =	shalt  }
0x84: {  	_ =	shalt  }
0x85: {  	_ =	shalt  }
0x86: {  	_ =	shalt  }
0x87: {  	_ =	shalt  }
.Lfunc_end0:
.L_simem_size_0:
called_computation_lowered:
.L_overlay_start_0:
0x88: {  	s2 =	sld [smem:$0x3FD9]  }
0x89: {  	s3 =	sld [smem:$0x3FFE];
	_ =	sdelay $0x1  }
0x8a: {  	s1 =	srdreg.scid  }
0x8b: {  	s0 =	sand.u32 $0x1, s1  }
0x8c: {  	s17 =	sshll.u32 s0, $0xA;
	s2 =	sadd.s32 s3, s2  }
0x8d: {  	s2 =	sadd.s32 s2, s17  }
0x8e: {  	[smem:$0x3FC0] =	sst s2  }
0x8f: {  	_ = 	snop  }
0x90: {  	s2 =	sld [smem:$0x3FD0];
	(tm) =	ssettm $0x1  }
0x91: {  	s18 =	sld [smem:$0x3FFB];
	_ =	sdelay $0x3  }
0x92: {  	_ =	strace s18  }
0x93: {  	s3 =	sld [smem:$0x3FFC];
	_ =	sdelay $0x3  }
0x94: {  	_ =	strace s3  }
0x95: {  	s3 =	sld [smem:$0x3FFD];
	_ =	sdelay $0x3  }
0x96: {  	_ =	strace s3  }
0x97: {  	_ =	strace $0x8FFFFFFF  }
0x98: {  	s19 =	sld [smem:$0x3FDB];
	_ =	sdelay $0x1  }
0x99: {  	s4 =	simm.s32 $_scs_section_size  }
0x9a: {  	s5 =	simm.s32 $_size__tile_overlayer_lowered;
	s6 =	simm.s32 $_tile_overlayer_lowered  }
0x9b: {  	s22 =	simm.s32 $0x1BFF;
	s21 =	sshll.u32 s6, $0x1;
	s3 =	sadd.s32 s4, s19  }
0x9c: {  	s7 =	simm.s32 $0x0;
	s20 =	sshll.u32 s5, $0x1;
	s5 =	sadd.s32 s21, s3  }
0x9d: {  	[timem:s7], [sflag:s22] =	dma.local [hbm:s5], s20  }
0x9e: {  	_ =	swait.ge [sflag:s22], s20  }
0x9f: {  	s4 =	ssub.s32 $0x0, s20;
	[sflag:s22] =	ssyncset.done $0x0  }
0xa0: {  	[sflag:s22] =	ssyncadd.s32 s4;
	_ =	sdelay $0x1  }
0xa1: {  	s23 =	simm.s32 $0x1B8B  }
0xa2: {  	_ =	swait.ge [sflag:s23], $0x1  }
0xa3: {  	[sflag:s23] =	ssyncset.done $0x0  }
0xa4: {  	s25 =	simm.s32 $0x1B8E;
	s24 =	sld [smem:$0x3FFE];
	[sflag:s23] =	ssyncadd.s32 $0xFFFFFFFF  }
0xa5: {  	s26 =	simm.s32 $execute0_lowered;
	[smem:$0x3FD2] =	sst s25  }
0xa6: {  	s5 =	sshll.u32 s26, $0x1;
	_ =	strace $0x80000046;
	[dreg:$0x1] =	wrdreg $0xFFFFFFFF  }
0xa7: {  	s28 =	simm.s32 $_size_execute0_lowered;
	s3 =	sadd.s32 s3, s5;
	[dreg:$0x0] =	wrdreg $0x0  }
0xa8: {  	s5 =	sshll.u32 s28, $0x1;
	[dreg:$0x2] =	wrdreg s3  }
0xa9: {  	[dreg:$0x3] =	wrdreg s5  }
0xaa: {  	[dreg:$0x4] =	wrdreg $0xC0  }
0xab: {  	_ =	task [dreg:s7], $0x5FFFF  }
0xac: {  	[dreg:$0x1] =	wrdreg $0xFFFFFFFF  }
0xad: {  	[dreg:$0x0] =	wrdreg $0x60  }
0xae: {  	[dreg:$0x2] =	wrdreg s24  }
0xaf: {  	[dreg:$0x3] =	wrdreg s2  }
0xb0: {  	[dreg:$0x4] =	wrdreg $0x9  }
0xb1: {  	_ =	task.clear_ibuf [dreg:s7], $0x5FFFF;
	_ =	strace $0x90000046  }
0xb2: {  	s29 =	simm.s32 $0x9;
	_ =	strace $0x80000048  }
0xb3: {  	_ =	swait.ge [sflag:s29], $0x1  }
0xb4: {  	[sflag:s29] =	ssyncadd.s32 $0xFFFFFFFF  }
0xb5: {  	_ =	strace $0x90000048  }
0xb6: {  	_ =	sfence  }
0xb7: {  	s30 =	sld [smem:$0x0];
	_ =	sdelay $0x2  }
0xb8: {  	s31 =	sshll.u32 s1, $0xD;
	s1 =	sshrl.u32 s1, $0x2  }
0xb9: {  	s3 =	sand.u32 $0x4000, s31;
	s1 =	sadd.s32 s1, s30  }
0xba: {  	s0 =	sor.u32 s3, s0;
	s1 =	sshll.u32 s1, $0x11  }
0xbb: {  	s0 =	sor.u32 s1, s0  }
0xbc: {  	s0 =	sadd.s32 $0x8F2B, s0  }
0xbd: {  	[sflag:s0] =	ssyncadd.remote.s32 $0x1  }
0xbe: {  	_ =	sfence.sel $0xFFFF  }
0xbf: {  	[dreg:$0x0] =	wrdreg $0xFFFFFFFF;
	(pc) =	sbr.abs _section_cstart, $3  }
0xc0: {  	[dreg:$0x1] =	wrdreg $0xFFFFFFFF  }
0xc1: {  	_ =	task.clear_ibuf [dreg:s7], $0x2FFFF;
	_ =	strace $0x9FFFFFFF  }
0xc2: {  	(tm) =	ssettm $0x7FFFFFFF  }
0xc3: {  	_ =	shalt  }
tec
execute0_lowered:
.L_overlay_start_1:
0x0: {  	(tag) =	ssettag $0x1  }
0x1: {  	s3 =	rddreg [dreg:$0x0]  }
0x2: {  	s1 =	srdreg.scid;
	s0 =	stileid.u32  }
0x3: {  	s4 =	rddreg [dreg:$0x1];
	s9 =	simm.s32 $0x400;
	s10 =	simm.s32 $0x0  }
0x4: {  	s5 =	sand.u32 $0x1, s1;
	s2 =	sshll.u32 s0, $0x1;
	s1 =	rddreg [dreg:$0x2]  }
0x5: {  	s7 =	sshrl.u32 s0, $0x2;
	s6 =	sor.u32 s5, s2;
	s2 =	simm.s32 $0x0  }
0x6: {  	s7 =	smul.u32 $0x13C00, s7;
	s5 =	ssub.s32 $0x2, s5;
	s8 =	sshll.u32 s6, $0x7  }
0x7: {  	[smem:$0x7FF] =	sst s2;
	s6 =	smul.u32 $0x4E2, s6;
	s31 =	sshrl.u32 s5, $0x1  }
0x8: {  	s8 =	sand.u32 $0x380, s8;
	_ =	strace $0x80000047;
	s5 =	ssub.s32 s5, s31  }
0x9: {  	s7 =	sor.u32 s7, s8;
	s3 =	sadd.s32 s6, s3;
	s5 =	smax.u32 s5, $0x1  }
0xa: {  	s6 =	simm.s32 $0x1;
	s8 =	simm.s32 $0x80;
	s7 =	sshrl.u32 s7, $0x3  }
0xb: {  	v0 =	vimm.f32 $0.0e+00;
	v1 =	vimm.f32 $1.000000000e+00;
	s3 =	sadd.s32 $0x3400, s3;
	s4 =	sadd.s32 s4, s7;
	s7 =	simm.s32 $0x2780  }
.LBB2_1:
0xc: {  	[tilespmem:s2], [sflag:$0x1] =	stream.linear.gather [hbm4b:s3+s2], $0x2710, $0x38;
	[tilespmem:$0x4F00] =	vst v63  }
0xd: {  	_ =	swait.ge [sflag:s6], $0x2710  }
0xe: {  	[sflag:s6] =	ssyncset.done $0x0  }
0xf: {  	s11 =	simm.s32 $0x0;
	[sflag:s6] =	ssyncadd.s32 $0xFFFFD8F0  }
.LBB2_2:
0x10: {  	p0 =	sne.s32 s11, $0x9C00  }
.Ltmp0:
0x11: {  	_ = 	snop;
	(pc) =	sbr.rel @p0 .LBB2_2-.Ltmp0, $3  }
0x12: {  	_ =	sdelay $0x1  }
0x13: {  	s12 =	sshra.s32 s11, $0x2  }
0x14: {  	s11 =	sadd.s32 $0x40, s11;
	[tilespmem:s12+$0x2780] =	vst v0  }
0x15: {  	s12 =	simm.s32 $0x0;
	s11 =	simm.s32 $0x40  }
.LBB2_4:
0x16: {  	p0 =	sne.s32 s11, $0x9C00;
	v2 =	vld [tilespmem:s12+$0x0];
	_ =	sdelay $0x3  }
.Ltmp1:
0x17: {  	(pc) =	sbr.rel @p0 .LBB2_4-.Ltmp1, $2  }
0x18: {  	_ =	sdelay $0x2  }
0x19: {  	s12 =	sshra.s32 s11, $0x2;
	s11 =	sadd.s32 $0x40, s11;
	[tilespmem:v2+s7+$0x0] =	vst.idx.add.f32.msk $0xffff, v1  }
0x1a: {  	v2 =	vld [tilespmem:s12+$0x0];
	_ =	sdelay $0x5  }
0x1b: {  	s10 =	sadd.s32 $0x1, s10  }
0x1c: {  	p0 =	sne.s32 s10, s5  }
.Ltmp2:
0x1d: {  	[tilespmem:v2+s7+$0x0] =	vst.idx.add.f32.msk $0xffff, v1;
	(pc) =	sbr.rel @p0 .LBB2_1-.Ltmp2, $4  }
0x1e: {  	[hbm4b:s4+s8] =	stream.strided.scatter [tilespmem:s7], [sflag:$0x1], $0x2780, s9, s8, $0x38;
	[tilespmem:$0x4F00] =	vst v63  }
0x1f: {  	_ =	swait.ge [sflag:s6], $0x2780  }
0x20: {  	[sflag:s6] =	ssyncset.done $0x0  }
0x21: {  	[sflag:s6] =	ssyncadd.s32 $0xFFFFD880  }
0x22: {  	_ =	sfence.sel $0x180000  }
0x23: {  	[bflag:$0x0] =	sbarrier.arrive $0xFFFF  }
0x24: {  	p0 =	sne.s32 s0, $0x0;
	_ =	strace $0x90000047  }
0x25: {  	s0 =	sadd.s32 @!p0 $0x100000, s1;
	[bflag:$0x2] =	sbarrier.arrive $0xFFFF  }
0x26: {  	[sflag:s0] =	ssyncadd.tile.s32 @!p0 $0x1;
	_ =	shalt  }
.Lfunc_end2:
_tile_overlayer_lowered:
.L_overlay_start_2:
0x27: {  	(tag) =	ssettag $0x2  }
0x28: {  	s0 =	rddreg [dreg:$0x0];
	s2 =	stileid.u32  }
0x29: {  	s1 =	rddreg [dreg:$0x1];
	p0 =	sne.s32 s2, $0x0  }
0x2a: {  	s3 =	rddreg [dreg:$0x2];
	[bflag:$0x3] =	sbarrier.arrive $0xFFFF;
	s2 =	simm.s32 @!p0 $0x1C01  }
0x2b: {  	[timem:s3], [sflag:s2] =	dma.local @!p0 [hbm:s0], s1  }
0x2c: {  	s0 =	simm.s32 @!p0 $0x1  }
0x2d: {  	_ =	swait.ge @!p0 [sflag:s0], s1  }
0x2e: {  	s1 =	ssub.s32 @!p0 $0x0, s1;
	[sflag:s0] =	ssyncset.done @!p0 $0x0  }
0x2f: {  	[sflag:s0] =	ssyncadd.s32 @!p0 s1  }
0x30: {  	[bflag:$0x3] =	sbarrier.arrive $0xFFFF  }
0x31: {  	_ =	shalt  }

// kernel: kernel.13.cloned.1.call-start
scs
__scs_entry_jumppad:
0x0: {  	(pc) =	sbr.rel $0x88, $3  }
0x1: {  	(tag) =	ssettag $0x0;
	lr =	simm.s32 $0x1  }
0x2: {  	[smem:$0x3F99] =	sst lr;
	_ =	strace $0xD0000000  }
0x3: {  	_ = 	snop  }
0x4: {  	_ = 	snop  }
0x5: {  	_ = 	snop  }
0x6: {  	_ = 	snop  }
0x7: {  	_ = 	snop  }
__scs_overlays_trampoline_lowered:
0x8: {  	[smem:$0x3FA8] =	sst s0  }
0x9: {  	[smem:$0x3FA9] =	sst s1  }
0xa: {  	[smem:$0x3FAA] =	sst s2  }
0xb: {  	[smem:$0x3FAB] =	sst s3  }
0xc: {  	[smem:$0x3FAC] =	sst s4  }
0xd: {  	[smem:$0x3FAD] =	sst s5  }
0xe: {  	[smem:$0x3FAE] =	sst s6  }
0xf: {  	[smem:$0x3FAF] =	sst s7  }
0x10: {  	[smem:$0x3FB0] =	sst s8  }
0x11: {  	[smem:$0x3FB1] =	sst s9;
	s0 =	simm.s32 @!p0 $0x0  }
0x12: {  	s1 =	sld [smem:$0x3F97];
	s0 =	simm.s32 @p0 $0x1  }
0x13: {  	[smem:$0x3FB2] =	sst s0;
	s0 =	simm.s32 @!p1 $0x0  }
0x14: {  	s2 =	sld [smem:$0x3F96];
	s0 =	simm.s32 @p1 $0x1  }
0x15: {  	[smem:$0x3FB3] =	sst s0;
	s0 =	simm.s32 @!p2 $0x0  }
0x16: {  	s3 =	sld [smem:$0x3FDB];
	s0 =	simm.s32 @p2 $0x1  }
0x17: {  	s4 =	simm.s32 $0x1BF5;
	[smem:$0x3FB5] =	sst s0  }
0x18: {  	s0 =	sld [smem:$0x3F98];
	_ =	swait.ge [sflag:s4], $0x0  }
0x19: {  	s7 =	sld [smem:$0x3F99]  }
0x1a: {  	s8 =	sadd.s32 $0xFFFFE003, lr  }
0x1b: {  	s9 =	sadd.s32 $0xFFFFFEF7, lr;
	s5 =	simm.s32 $0xFFFFFFFF;
	p2 =	slt.u32 s8, $0xFFFFF086  }
0x1c: {  	p1 =	slt.u32 s9, $0xF7A;
	s5 =	simm.s32 @!p2 $0x0  }
0x1d: {  	s5 =	simm.s32 @p1 $0x1;
	p0 =	seq.s32 s7, s2  }
0x1e: {  	s7 =	smul.u32 @!p0 $0xF7A, s2;
	p2 =	seq.s32 @!p0 s5, $0x0  }
0x1f: {  	s9 =	smul.u32 $0xF7A, s1;
	s8 =	simm.s32 @!p0 $0x1BF5;
	p2 =	por !p2, p0  }
0x20: {  	[sflag:s8] =	ssyncset.s32 @!p0 $0xFFFFF086;
	s6 =	sadd.s32 @!p0 s3, s7;
	s7 =	simm.s32 @!p0 $0x108  }
0x21: {  	s3 =	sadd.s32 s3, s9;
	s6 =	sadd.s32 @!p0 $0x88, s6;
	s7 =	simm.s32 @p2 $0x1082  }
0x22: {  	[simem:s7], [sflag:s8] =	dma.local @!p0 [hbm:s6], $0xF7A  }
0x23: {  	s9 =	sor.u32 $0xD0000000, s2;
	s6 =	simm.s32 $0x108;
	_ =	swait.ge @!p0 [sflag:s8], $0x0  }
0x24: {  	s3 =	sadd.s32 $0x88, s3;
	s6 =	simm.s32 @!p1 $0x1082;
	[sflag:s4] =	ssyncset.s32 $0xFFFFF086  }
0x25: {  	[simem:s6], [sflag:s4] =	dma.local [hbm:s3], $0xF7A  }
0x26: {  	[smem:$0x3F99] =	sst s1;
	(tag) =	ssettag s2;
	_ =	strace s9  }
0x27: {  	s1 =	sld [smem:$0x3FA9]  }
0x28: {  	s2 =	sld [smem:$0x3FAA]  }
0x29: {  	s4 =	sld [smem:$0x3FAC]  }
0x2a: {  	p0 =	seq.s32 s5, $0x0;
	s5 =	sld [smem:$0x3FAD]  }
0x2b: {  	s6 =	sld [smem:$0x3FAE]  }
0x2c: {  	s7 =	sld [smem:$0x3FAF]  }
0x2d: {  	s3 =	simm.s32 $0x108;
	s8 =	sld [smem:$0x3FB0]  }
0x2e: {  	s3 =	simm.s32 @!p0 $0x1082;
	s9 =	sld [smem:$0x3FB1]  }
0x2f: {  	lr =	sadd.s32 s0, s3;
	s0 =	sld [smem:$0x3FA8]  }
0x30: {  	s3 =	sld [smem:$0x3FAB]  }
0x31: {  	[smem:$0x3FB4] =	sst s10  }
0x32: {  	s10 =	sld [smem:$0x3FB2];
	_ =	sdelay $0x3  }
0x33: {  	p0 =	seq.s32 s10, $0x1;
	s10 =	sld [smem:$0x3FB4];
	_ =	sdelay $0x3  }
0x34: {  	[smem:$0x3FB4] =	sst s10  }
0x35: {  	s10 =	sld [smem:$0x3FB3];
	_ =	sdelay $0x3  }
0x36: {  	p1 =	seq.s32 s10, $0x1;
	s10 =	sld [smem:$0x3FB4];
	_ =	sdelay $0x3  }
0x37: {  	[smem:$0x3FB4] =	sst s10  }
0x38: {  	s10 =	sld [smem:$0x3FB5]  }
0x39: {  	_ = 	snop;
	(pc) =	sbr.ind lr, $3  }
0x3a: {  	_ = 	snop  }
0x3b: {  	_ = 	snop  }
0x3c: {  	p2 =	seq.s32 s10, $0x1;
	s10 =	sld [smem:$0x3FB4]  }
0x3d: {  	_ =	shalt  }
0x3e: {  	_ =	shalt  }
0x3f: {  	_ =	shalt  }
0x40: {  	_ =	shalt  }
0x41: {  	_ =	shalt  }
0x42: {  	_ =	shalt  }
0x43: {  	_ =	shalt  }
0x44: {  	_ =	shalt  }
0x45: {  	_ =	shalt  }
0x46: {  	_ =	shalt  }
0x47: {  	_ =	shalt  }
0x48: {  	_ =	shalt  }
0x49: {  	_ =	shalt  }
0x4a: {  	_ =	shalt  }
0x4b: {  	_ =	shalt  }
0x4c: {  	_ =	shalt  }
0x4d: {  	_ =	shalt  }
0x4e: {  	_ =	shalt  }
0x4f: {  	_ =	shalt  }
0x50: {  	_ =	shalt  }
0x51: {  	_ =	shalt  }
0x52: {  	_ =	shalt  }
0x53: {  	_ =	shalt  }
0x54: {  	_ =	shalt  }
0x55: {  	_ =	shalt  }
0x56: {  	_ =	shalt  }
0x57: {  	_ =	shalt  }
0x58: {  	_ =	shalt  }
0x59: {  	_ =	shalt  }
0x5a: {  	_ =	shalt  }
0x5b: {  	_ =	shalt  }
0x5c: {  	_ =	shalt  }
0x5d: {  	_ =	shalt  }
0x5e: {  	_ =	shalt  }
0x5f: {  	_ =	shalt  }
0x60: {  	_ =	shalt  }
0x61: {  	_ =	shalt  }
0x62: {  	_ =	shalt  }
0x63: {  	_ =	shalt  }
0x64: {  	_ =	shalt  }
0x65: {  	_ =	shalt  }
0x66: {  	_ =	shalt  }
0x67: {  	_ =	shalt  }
0x68: {  	_ =	shalt  }
0x69: {  	_ =	shalt  }
0x6a: {  	_ =	shalt  }
0x6b: {  	_ =	shalt  }
0x6c: {  	_ =	shalt  }
0x6d: {  	_ =	shalt  }
0x6e: {  	_ =	shalt  }
0x6f: {  	_ =	shalt  }
0x70: {  	_ =	shalt  }
0x71: {  	_ =	shalt  }
0x72: {  	_ =	shalt  }
0x73: {  	_ =	shalt  }
0x74: {  	_ =	shalt  }
0x75: {  	_ =	shalt  }
0x76: {  	_ =	shalt  }
0x77: {  	_ =	shalt  }
0x78: {  	_ =	shalt  }
0x79: {  	_ =	shalt  }
0x7a: {  	_ =	shalt  }
0x7b: {  	_ =	shalt  }
0x7c: {  	_ =	shalt  }
0x7d: {  	_ =	shalt  }
0x7e: {  	_ =	shalt  }
0x7f: {  	_ =	shalt  }
0x80: {  	_ =	shalt  }
0x81: {  	_ =	shalt  }
0x82: {  	_ =	shalt  }
0x83: {  	_ =	shalt  }
0x84: {  	_ =	shalt  }
0x85: {  	_ =	shalt  }
0x86: {  	_ =	shalt  }
0x87: {  	_ =	shalt  }
.Lfunc_end0:
.L_simem_size_0:
called_computation.1_lowered:
.L_overlay_start_0:
0x88: {  	s2 =	sld [smem:$0x3FD9]  }
0x89: {  	s3 =	sld [smem:$0x3FFE];
	_ =	sdelay $0x1  }
0x8a: {  	s1 =	srdreg.scid  }
0x8b: {  	s0 =	sand.u32 $0x1, s1  }
0x8c: {  	s17 =	sshll.u32 s0, $0xA;
	s2 =	sadd.s32 s3, s2  }
0x8d: {  	s2 =	sadd.s32 s2, s17  }
0x8e: {  	[smem:$0x3FC0] =	sst s2  }
0x8f: {  	_ = 	snop  }
0x90: {  	s2 =	sld [smem:$0x3FD0];
	(tm) =	ssettm $0x1  }
0x91: {  	s18 =	sld [smem:$0x3FFB];
	_ =	sdelay $0x3  }
0x92: {  	_ =	strace s18  }
0x93: {  	s3 =	sld [smem:$0x3FFC];
	_ =	sdelay $0x3  }
0x94: {  	_ =	strace s3  }
0x95: {  	s3 =	sld [smem:$0x3FFD];
	_ =	sdelay $0x3  }
0x96: {  	_ =	strace s3  }
0x97: {  	_ =	strace $0x8FFFFFFF  }
0x98: {  	s19 =	sld [smem:$0x3FDB];
	_ =	sdelay $0x1  }
0x99: {  	s4 =	simm.s32 $_scs_section_size  }
0x9a: {  	s5 =	simm.s32 $_size__tile_overlayer_lowered;
	s6 =	simm.s32 $_tile_overlayer_lowered  }
0x9b: {  	s22 =	simm.s32 $0x1BFF;
	s21 =	sshll.u32 s6, $0x1;
	s3 =	sadd.s32 s4, s19  }
0x9c: {  	s7 =	simm.s32 $0x0;
	s20 =	sshll.u32 s5, $0x1;
	s5 =	sadd.s32 s21, s3  }
0x9d: {  	[timem:s7], [sflag:s22] =	dma.local [hbm:s5], s20  }
0x9e: {  	_ =	swait.ge [sflag:s22], s20  }
0x9f: {  	s4 =	ssub.s32 $0x0, s20;
	[sflag:s22] =	ssyncset.done $0x0  }
0xa0: {  	[sflag:s22] =	ssyncadd.s32 s4;
	_ =	sdelay $0x1  }
0xa1: {  	s23 =	simm.s32 $0x1B8B  }
0xa2: {  	_ =	swait.ge [sflag:s23], $0x1  }
0xa3: {  	[sflag:s23] =	ssyncset.done $0x0  }
0xa4: {  	s25 =	simm.s32 $0x1B8E;
	s24 =	sld [smem:$0x3FFE];
	[sflag:s23] =	ssyncadd.s32 $0xFFFFFFFF  }
0xa5: {  	s26 =	simm.s32 $execute0_lowered;
	[smem:$0x3FD2] =	sst s25  }
0xa6: {  	s5 =	sshll.u32 s26, $0x1;
	_ =	strace $0x80000049;
	[dreg:$0x1] =	wrdreg $0xFFFFFFFF  }
0xa7: {  	s28 =	simm.s32 $_size_execute0_lowered;
	s3 =	sadd.s32 s3, s5;
	[dreg:$0x0] =	wrdreg $0x0  }
0xa8: {  	s5 =	sshll.u32 s28, $0x1;
	[dreg:$0x2] =	wrdreg s3  }
0xa9: {  	[dreg:$0x3] =	wrdreg s5  }
0xaa: {  	[dreg:$0x4] =	wrdreg $0xC0  }
0xab: {  	_ =	task [dreg:s7], $0x5FFFF  }
0xac: {  	[dreg:$0x1] =	wrdreg $0xFFFFFFFF  }
0xad: {  	[dreg:$0x0] =	wrdreg $0x60  }
0xae: {  	[dreg:$0x2] =	wrdreg s2  }
0xaf: {  	[dreg:$0x3] =	wrdreg s24  }
0xb0: {  	[dreg:$0x4] =	wrdreg $0x90000  }
0xb1: {  	[dreg:$0x5] =	wrdreg $0x9  }
0xb2: {  	_ =	task.clear_ibuf [dreg:s7], $0x6FFFF;
	_ =	strace $0x90000049  }
0xb3: {  	s29 =	simm.s32 $0x9;
	_ =	strace $0x8000004B  }
0xb4: {  	_ =	swait.ge [sflag:s29], $0x1  }
0xb5: {  	[sflag:s29] =	ssyncadd.s32 $0xFFFFFFFF  }
0xb6: {  	_ =	strace $0x9000004B  }
0xb7: {  	_ =	sfence  }
0xb8: {  	s30 =	sld [smem:$0x0];
	_ =	sdelay $0x2  }
0xb9: {  	s31 =	sshll.u32 s1, $0xD;
	s1 =	sshrl.u32 s1, $0x2  }
0xba: {  	s3 =	sand.u32 $0x4000, s31;
	s1 =	sadd.s32 s1, s30  }
0xbb: {  	s0 =	sor.u32 s3, s0;
	s1 =	sshll.u32 s1, $0x11  }
0xbc: {  	s0 =	sor.u32 s1, s0  }
0xbd: {  	s0 =	sadd.s32 $0x8F2B, s0  }
0xbe: {  	[sflag:s0] =	ssyncadd.remote.s32 $0x1  }
0xbf: {  	_ =	sfence.sel $0xFFFF  }
0xc0: {  	[dreg:$0x0] =	wrdreg $0xFFFFFFFF;
	(pc) =	sbr.abs _section_cstart, $3  }
0xc1: {  	[dreg:$0x1] =	wrdreg $0xFFFFFFFF  }
0xc2: {  	_ =	task.clear_ibuf [dreg:s7], $0x2FFFF;
	_ =	strace $0x9FFFFFFF  }
0xc3: {  	(tm) =	ssettm $0x7FFFFFFF  }
tec
execute0_lowered:
.L_overlay_start_1:
0x0: {  	(tag) =	ssettag $0x1  }
0x1: {  	s0 =	rddreg [dreg:$0x0];
	s1 =	srdreg.scid  }
0x2: {  	s16 =	stileid.u32;
	s4 =	rddreg [dreg:$0x1]  }
0x3: {  	s2 =	rddreg [dreg:$0x2];
	s3 =	simm.s32 $0x0;
	s13 =	simm.s32 $0x5000  }
0x4: {  	s14 =	simm.s32 $0x2;
	s15 =	simm.s32 $0x2800;
	s17 =	simm.s32 $0x1  }
0x5: {  	s5 =	sand.u32 $0x1, s1;
	s31 =	sshll.u32 s16, $0x1;
	s1 =	rddreg [dreg:$0x3]  }
0x6: {  	[smem:$0x7FF] =	sst s3;
	s7 =	smul.u32 $0x50000, s16;
	p0 =	sne.s32 s16, $0x0  }
0x7: {  	s16 =	simm.s32 $0x80;
	s6 =	sor.u32 s5, s31;
	s8 =	smul.u32 $0x28000, s5  }
0x8: {  	_ =	strace $0x8000004A;
	s5 =	ssub.s32 $0x2, s5;
	s6 =	smul.u32 $0x500, s6  }
0x9: {  	s18 =	sshrl.u32 @!p0 s2, $0x3;
	s9 =	sshrl.u32 s5, $0x1;
	s7 =	sshrl.u32 s7, $0x2  }
0xa: {  	s8 =	sadd.s32 s8, s4;
	s9 =	ssub.s32 s5, s9;
	s6 =	sadd.s32 s6, s4  }
0xb: {  	s4 =	sadd.s32 s7, s2;
	s7 =	sadd.s32 $0x21200, s8;
	s8 =	smax.u32 s9, $0x1  }
0xc: {  	s5 =	sadd.s32 $0xD200, s6;
	s6 =	sadd.s32 $0x17200, s6;
	s9 =	sadd.s32 $0x4000, s4  }
0xd: {  	v0 =	vimm.f32 $0.0e+00;
	s10 =	sadd.s32 $0x8000, s4;
	s11 =	sadd.s32 $0xC000, s4;
	s12 =	sadd.s32 $0x10000, s4  }
.LBB2_1:
0xe: {  	s19 =	simm.s32 $0x0;
	s20 =	simm.s32 $0x200  }
.LBB2_2:
0xf: {  	p1 =	sne.s32 s20, $0xFE00;
	[tilespmem:s19+$0x5070] =	vst v0  }
0x10: {  	[tilespmem:s19+$0x5000] =	vst v0  }
0x11: {  	[tilespmem:s19+$0x5010] =	vst v0  }
.Ltmp0:
0x12: {  	[tilespmem:s19+$0x5020] =	vst v0;
	(pc) =	sbr.rel @p1 .LBB2_2-.Ltmp0, $4  }
0x13: {  	[tilespmem:s19+$0x5030] =	vst v0  }
0x14: {  	[tilespmem:s19+$0x5040] =	vst v0  }
0x15: {  	[tilespmem:s19+$0x5050] =	vst v0  }
0x16: {  	[tilespmem:s19+$0x5060] =	vst v0;
	s19 =	sshra.s32 s20, $0x2;
	s20 =	sadd.s32 $0x200, s20  }
0x17: {  	[tilespmem:s19+$0x5070] =	vst v0  }
0x18: {  	[tilespmem:s19+$0x5000] =	vst v0  }
0x19: {  	[tilespmem:s19+$0x5010] =	vst v0  }
0x1a: {  	[tilespmem:s19+$0x5020] =	vst v0  }
0x1b: {  	[tilespmem:s19+$0x5030] =	vst v0  }
0x1c: {  	[tilespmem:s19+$0x5040] =	vst v0  }
0x1d: {  	[tilespmem:s19+$0x5050] =	vst v0  }
0x1e: {  	[tilespmem:s19+$0x5060] =	vst v0  }
0x1f: {  	[spmem:s4] =	stream.linear.scatter [tilespmem:s13], [sflag:$0x2], $0x4000, $0x38;
	[tilespmem:$0x1D000] =	vst v63  }
0x20: {  	_ =	swait.ge [sflag:s14], $0x4000  }
0x21: {  	[sflag:s14] =	ssyncset.done $0x0  }
0x22: {  	[sflag:s14] =	ssyncadd.s32 $0xFFFFC000  }
0x23: {  	[spmem:s9] =	stream.linear.scatter [tilespmem:s13], [sflag:$0x2], $0x4000, $0x38;
	[tilespmem:$0x1D000] =	vst v63  }
0x24: {  	_ =	swait.ge [sflag:s14], $0x4000  }
0x25: {  	[sflag:s14] =	ssyncset.done $0x0  }
0x26: {  	[sflag:s14] =	ssyncadd.s32 $0xFFFFC000  }
0x27: {  	[spmem:s10] =	stream.linear.scatter [tilespmem:s13], [sflag:$0x2], $0x4000, $0x38;
	[tilespmem:$0x1D000] =	vst v63  }
0x28: {  	_ =	swait.ge [sflag:s14], $0x4000  }
0x29: {  	[sflag:s14] =	ssyncset.done $0x0  }
0x2a: {  	[sflag:s14] =	ssyncadd.s32 $0xFFFFC000  }
0x2b: {  	[spmem:s11] =	stream.linear.scatter [tilespmem:s13], [sflag:$0x2], $0x4000, $0x38;
	[tilespmem:$0x1D000] =	vst v63  }
0x2c: {  	_ =	swait.ge [sflag:s14], $0x4000  }
0x2d: {  	[sflag:s14] =	ssyncset.done $0x0  }
0x2e: {  	[sflag:s14] =	ssyncadd.s32 $0xFFFFC000  }
0x2f: {  	[spmem:s12] =	stream.linear.scatter [tilespmem:s13], [sflag:$0x2], $0x4000, $0x38;
	[tilespmem:$0x1D000] =	vst v63  }
0x30: {  	_ =	swait.ge [sflag:s14], $0x4000  }
0x31: {  	[sflag:s14] =	ssyncset.done $0x0  }
0x32: {  	s29 =	simm.s32 $0x0;
	[sflag:s14] =	ssyncadd.s32 $0xFFFFC000  }
0x33: {  	[tilespmem:s29], [sflag:$0x2] =	stream.linear.gather [hbm4b:s5+s29], $0x2800, $0x38;
	[tilespmem:$0x1D000] =	vst v63  }
0x34: {  	_ =	swait.ge [sflag:s14], $0x2800  }
0x35: {  	[sflag:s14] =	ssyncset.done $0x0  }
0x36: {  	[sflag:s14] =	ssyncadd.s32 $0xFFFFD800  }
0x37: {  	[tilespmem:s15], [sflag:$0x2] =	stream.linear.gather [hbm4b:s6+s29], $0x2800, $0x38;
	[tilespmem:$0x1D000] =	vst v63  }
0x38: {  	_ =	swait.ge [sflag:s14], $0x2800  }
0x39: {  	[sflag:s14] =	ssyncset.done $0x0  }
0x3a: {  	[sflag:s14] =	ssyncadd.s32 $0xFFFFD800  }
0x3b: {  	s30 =	simm.s32 $0x0;
	[bflag:$0x0] =	sbarrier.arrive $0xFFFF  }
0x3c: {  	[tilespmem:s13], [sflag:$0x1] =	stream.indirect.gather [hbm4b:s0+s16], $0x80, s30, s16, $0xb8;
	[tilespmem:$0x1D000] =	vst v63  }
0x3d: {  	_ =	swait.ge [sflag:s17], $0x4000  }
0x3e: {  	[sflag:s17] =	ssyncset.done $0x0  }
0x3f: {  	s31 =	simm.s32 $0x2800;
	[sflag:s17] =	ssyncadd.s32 $0xFFFFC000  }
0x40: {  	[spmem:s2] =	stream.indirect.scatter.add.f32 [tilespmem:s13], [sflag:$0x2], $0x80, s31, s16, $0xb8;
	[tilespmem:$0x1D000] =	vst v63  }
0x41: {  	_ =	swait.ge [sflag:s14], $0x4000  }
0x42: {  	s19 =	simm.s32 $0x200;
	s20 =	simm.s32 $0x400;
	[sflag:s14] =	ssyncset.done $0x0  }
.LBB2_4:
0x43: {  	s21 =	sshra.s32 s19, $0x2  }
0x44: {  	[sflag:s14] =	ssyncadd.s32 $0xFFFFC000;
	s19 =	smov.u32 s20;
	s22 =	sadd.s32 $0x200, s20  }
0x45: {  	[tilespmem:s13], [sflag:$0x1] =	stream.indirect.gather [hbm4b:s0+s16], $0x80, s21, s16, $0xb8;
	[tilespmem:$0x1D000] =	vst v63  }
0x46: {  	p1 =	sne.s32 s20, $0x9E00;
	_ =	swait.ge [sflag:s17], $0x4000  }
.Ltmp1:
0x47: {  	[sflag:s17] =	ssyncset.done $0x0;
	(pc) =	sbr.rel @p1 .LBB2_4-.Ltmp1, $4  }
0x48: {  	s20 =	sadd.s32 $0x2800, s21;
	[sflag:s17] =	ssyncadd.s32 $0xFFFFC000  }
0x49: {  	[spmem:s2] =	stream.indirect.scatter.add.f32 [tilespmem:s13], [sflag:$0x2], $0x80, s20, s16, $0xb8;
	[tilespmem:$0x1D000] =	vst v63  }
0x4a: {  	_ =	swait.ge [sflag:s14], $0x4000  }
0x4b: {  	s20 =	smov.u32 s22;
	[sflag:s14] =	ssyncset.done $0x0  }
0x4c: {  	s19 =	sshra.s32 s19, $0x2;
	[sflag:s14] =	ssyncadd.s32 $0xFFFFC000  }
0x4d: {  	[tilespmem:s13], [sflag:$0x1] =	stream.indirect.gather [hbm4b:s0+s16], $0x80, s19, s16, $0xb8;
	[tilespmem:$0x1D000] =	vst v63  }
0x4e: {  	_ =	swait.ge [sflag:s17], $0x4000  }
0x4f: {  	[sflag:s17] =	ssyncset.done $0x0  }
0x50: {  	s19 =	sadd.s32 $0x2800, s19;
	[sflag:s17] =	ssyncadd.s32 $0xFFFFC000  }
0x51: {  	[spmem:s2] =	stream.indirect.scatter.add.f32 [tilespmem:s13], [sflag:$0x2], $0x80, s19, s16, $0xb8;
	[tilespmem:$0x1D000] =	vst v63  }
0x52: {  	_ =	swait.ge [sflag:s14], $0x4000  }
0x53: {  	[sflag:s14] =	ssyncset.done $0x0  }
0x54: {  	s3 =	sadd.s32 $0x1, s3;
	[sflag:s14] =	ssyncadd.s32 $0xFFFFC000  }
0x55: {  	p1 =	sne.s32 s3, s8;
	s19 =	simm.s32 @!p0 $0x1C02;
	[bflag:$0x0] =	sbarrier.arrive $0xFFFF  }
0x56: {  	[hbm:s7], [sflag:s19] =	dma.local @!p0 [spmem:s18], $0x28000  }
.Ltmp2:
0x57: {  	_ = 	snop;
	(pc) =	sbr.rel @p1 .LBB2_1-.Ltmp2, $4  }
0x58: {  	s19 =	simm.s32 @!p0 $0x2  }
0x59: {  	_ =	swait.ge @!p0 [sflag:s19], $0x28000  }
0x5a: {  	[sflag:s19] =	ssyncset.done @!p0 $0x0  }
0x5b: {  	[sflag:s19] =	ssyncadd.s32 @!p0 $0xFFFD8000  }
0x5c: {  	_ =	sfence.sel $0x180000  }
0x5d: {  	[bflag:$0x0] =	sbarrier.arrive $0xFFFF  }
0x5e: {  	_ =	strace $0x9000004A  }
0x5f: {  	s0 =	sadd.s32 @!p0 $0x100000, s1;
	[bflag:$0x2] =	sbarrier.arrive $0xFFFF  }
0x60: {  	[sflag:s0] =	ssyncadd.tile.s32 @!p0 $0x1;
	_ =	shalt  }
.Lfunc_end2:
_tile_overlayer_lowered:
.L_overlay_start_2:
0x61: {  	(tag) =	ssettag $0x2  }
0x62: {  	s0 =	rddreg [dreg:$0x0];
	s2 =	stileid.u32  }
0x63: {  	s1 =	rddreg [dreg:$0x1];
	p0 =	sne.s32 s2, $0x0  }
0x64: {  	s3 =	rddreg [dreg:$0x2];
	[bflag:$0x3] =	sbarrier.arrive $0xFFFF;
	s2 =	simm.s32 @!p0 $0x1C02  }
0x65: {  	[timem:s3], [sflag:s2] =	dma.local @!p0 [hbm:s0], s1  }
0x66: {  	s0 =	simm.s32 @!p0 $0x2  }
0x67: {  	_ =	swait.ge @!p0 [sflag:s0], s1  }
0x68: {  	s1 =	ssub.s32 @!p0 $0x0, s1;
	[sflag:s0] =	ssyncset.done @!p0 $0x0  }
0x69: {  	[sflag:s0] =	ssyncadd.s32 @!p0 s1  }
0x6a: {  	[bflag:$0x3] =	sbarrier.arrive $0xFFFF  }
0x6b: {  	_ =	shalt  }

// kernel: kernel.16.cloned.1.call-start
scs
__scs_entry_jumppad:
0x0: {  	(pc) =	sbr.rel $0x88, $3  }
0x1: {  	(tag) =	ssettag $0x0;
	lr =	simm.s32 $0x1  }
0x2: {  	[smem:$0x3F99] =	sst lr;
	_ =	strace $0xD0000000  }
0x3: {  	_ = 	snop  }
0x4: {  	_ = 	snop  }
0x5: {  	_ = 	snop  }
0x6: {  	_ = 	snop  }
0x7: {  	_ = 	snop  }
__scs_overlays_trampoline_lowered:
0x8: {  	[smem:$0x3FA8] =	sst s0  }
0x9: {  	[smem:$0x3FA9] =	sst s1  }
0xa: {  	[smem:$0x3FAA] =	sst s2  }
0xb: {  	[smem:$0x3FAB] =	sst s3  }
0xc: {  	[smem:$0x3FAC] =	sst s4  }
0xd: {  	[smem:$0x3FAD] =	sst s5  }
0xe: {  	[smem:$0x3FAE] =	sst s6  }
0xf: {  	[smem:$0x3FAF] =	sst s7  }
0x10: {  	[smem:$0x3FB0] =	sst s8  }
0x11: {  	[smem:$0x3FB1] =	sst s9;
	s0 =	simm.s32 @!p0 $0x0  }
0x12: {  	s1 =	sld [smem:$0x3F97];
	s0 =	simm.s32 @p0 $0x1  }
0x13: {  	[smem:$0x3FB2] =	sst s0;
	s0 =	simm.s32 @!p1 $0x0  }
0x14: {  	s2 =	sld [smem:$0x3F96];
	s0 =	simm.s32 @p1 $0x1  }
0x15: {  	[smem:$0x3FB3] =	sst s0;
	s0 =	simm.s32 @!p2 $0x0  }
0x16: {  	s3 =	sld [smem:$0x3FDB];
	s0 =	simm.s32 @p2 $0x1  }
0x17: {  	s4 =	simm.s32 $0x1BF5;
	[smem:$0x3FB5] =	sst s0  }
0x18: {  	s0 =	sld [smem:$0x3F98];
	_ =	swait.ge [sflag:s4], $0x0  }
0x19: {  	s7 =	sld [smem:$0x3F99]  }
0x1a: {  	s8 =	sadd.s32 $0xFFFFE003, lr  }
0x1b: {  	s9 =	sadd.s32 $0xFFFFFEF7, lr;
	s5 =	simm.s32 $0xFFFFFFFF;
	p2 =	slt.u32 s8, $0xFFFFF086  }
0x1c: {  	p1 =	slt.u32 s9, $0xF7A;
	s5 =	simm.s32 @!p2 $0x0  }
0x1d: {  	s5 =	simm.s32 @p1 $0x1;
	p0 =	seq.s32 s7, s2  }
0x1e: {  	s7 =	smul.u32 @!p0 $0xF7A, s2;
	p2 =	seq.s32 @!p0 s5, $0x0  }
0x1f: {  	s9 =	smul.u32 $0xF7A, s1;
	s8 =	simm.s32 @!p0 $0x1BF5;
	p2 =	por !p2, p0  }
0x20: {  	[sflag:s8] =	ssyncset.s32 @!p0 $0xFFFFF086;
	s6 =	sadd.s32 @!p0 s3, s7;
	s7 =	simm.s32 @!p0 $0x108  }
0x21: {  	s3 =	sadd.s32 s3, s9;
	s6 =	sadd.s32 @!p0 $0x88, s6;
	s7 =	simm.s32 @p2 $0x1082  }
0x22: {  	[simem:s7], [sflag:s8] =	dma.local @!p0 [hbm:s6], $0xF7A  }
0x23: {  	s9 =	sor.u32 $0xD0000000, s2;
	s6 =	simm.s32 $0x108;
	_ =	swait.ge @!p0 [sflag:s8], $0x0  }
0x24: {  	s3 =	sadd.s32 $0x88, s3;
	s6 =	simm.s32 @!p1 $0x1082;
	[sflag:s4] =	ssyncset.s32 $0xFFFFF086  }
0x25: {  	[simem:s6], [sflag:s4] =	dma.local [hbm:s3], $0xF7A  }
0x26: {  	[smem:$0x3F99] =	sst s1;
	(tag) =	ssettag s2;
	_ =	strace s9  }
0x27: {  	s1 =	sld [smem:$0x3FA9]  }
0x28: {  	s2 =	sld [smem:$0x3FAA]  }
0x29: {  	s4 =	sld [smem:$0x3FAC]  }
0x2a: {  	p0 =	seq.s32 s5, $0x0;
	s5 =	sld [smem:$0x3FAD]  }
0x2b: {  	s6 =	sld [smem:$0x3FAE]  }
0x2c: {  	s7 =	sld [smem:$0x3FAF]  }
0x2d: {  	s3 =	simm.s32 $0x108;
	s8 =	sld [smem:$0x3FB0]  }
0x2e: {  	s3 =	simm.s32 @!p0 $0x1082;
	s9 =	sld [smem:$0x3FB1]  }
0x2f: {  	lr =	sadd.s32 s0, s3;
	s0 =	sld [smem:$0x3FA8]  }
0x30: {  	s3 =	sld [smem:$0x3FAB]  }
0x31: {  	[smem:$0x3FB4] =	sst s10  }
0x32: {  	s10 =	sld [smem:$0x3FB2];
	_ =	sdelay $0x3  }
0x33: {  	p0 =	seq.s32 s10, $0x1;
	s10 =	sld [smem:$0x3FB4];
	_ =	sdelay $0x3  }
0x34: {  	[smem:$0x3FB4] =	sst s10  }
0x35: {  	s10 =	sld [smem:$0x3FB3];
	_ =	sdelay $0x3  }
0x36: {  	p1 =	seq.s32 s10, $0x1;
	s10 =	sld [smem:$0x3FB4];
	_ =	sdelay $0x3  }
0x37: {  	[smem:$0x3FB4] =	sst s10  }
0x38: {  	s10 =	sld [smem:$0x3FB5]  }
0x39: {  	_ = 	snop;
	(pc) =	sbr.ind lr, $3  }
0x3a: {  	_ = 	snop  }
0x3b: {  	_ = 	snop  }
0x3c: {  	p2 =	seq.s32 s10, $0x1;
	s10 =	sld [smem:$0x3FB4]  }
0x3d: {  	_ =	shalt  }
0x3e: {  	_ =	shalt  }
0x3f: {  	_ =	shalt  }
0x40: {  	_ =	shalt  }
0x41: {  	_ =	shalt  }
0x42: {  	_ =	shalt  }
0x43: {  	_ =	shalt  }
0x44: {  	_ =	shalt  }
0x45: {  	_ =	shalt  }
0x46: {  	_ =	shalt  }
0x47: {  	_ =	shalt  }
0x48: {  	_ =	shalt  }
0x49: {  	_ =	shalt  }
0x4a: {  	_ =	shalt  }
0x4b: {  	_ =	shalt  }
0x4c: {  	_ =	shalt  }
0x4d: {  	_ =	shalt  }
0x4e: {  	_ =	shalt  }
0x4f: {  	_ =	shalt  }
0x50: {  	_ =	shalt  }
0x51: {  	_ =	shalt  }
0x52: {  	_ =	shalt  }
0x53: {  	_ =	shalt  }
0x54: {  	_ =	shalt  }
0x55: {  	_ =	shalt  }
0x56: {  	_ =	shalt  }
0x57: {  	_ =	shalt  }
0x58: {  	_ =	shalt  }
0x59: {  	_ =	shalt  }
0x5a: {  	_ =	shalt  }
0x5b: {  	_ =	shalt  }
0x5c: {  	_ =	shalt  }
0x5d: {  	_ =	shalt  }
0x5e: {  	_ =	shalt  }
0x5f: {  	_ =	shalt  }
0x60: {  	_ =	shalt  }
0x61: {  	_ =	shalt  }
0x62: {  	_ =	shalt  }
0x63: {  	_ =	shalt  }
0x64: {  	_ =	shalt  }
0x65: {  	_ =	shalt  }
0x66: {  	_ =	shalt  }
0x67: {  	_ =	shalt  }
0x68: {  	_ =	shalt  }
0x69: {  	_ =	shalt  }
0x6a: {  	_ =	shalt  }
0x6b: {  	_ =	shalt  }
0x6c: {  	_ =	shalt  }
0x6d: {  	_ =	shalt  }
0x6e: {  	_ =	shalt  }
0x6f: {  	_ =	shalt  }
0x70: {  	_ =	shalt  }
0x71: {  	_ =	shalt  }
0x72: {  	_ =	shalt  }
0x73: {  	_ =	shalt  }
0x74: {  	_ =	shalt  }
0x75: {  	_ =	shalt  }
0x76: {  	_ =	shalt  }
0x77: {  	_ =	shalt  }
0x78: {  	_ =	shalt  }
0x79: {  	_ =	shalt  }
0x7a: {  	_ =	shalt  }
0x7b: {  	_ =	shalt  }
0x7c: {  	_ =	shalt  }
0x7d: {  	_ =	shalt  }
0x7e: {  	_ =	shalt  }
0x7f: {  	_ =	shalt  }
0x80: {  	_ =	shalt  }
0x81: {  	_ =	shalt  }
0x82: {  	_ =	shalt  }
0x83: {  	_ =	shalt  }
0x84: {  	_ =	shalt  }
0x85: {  	_ =	shalt  }
0x86: {  	_ =	shalt  }
0x87: {  	_ =	shalt  }
.Lfunc_end0:
.L_simem_size_0:
called_computation.2_lowered:
.L_overlay_start_0:
0x88: {  	s2 =	sld [smem:$0x3FD9]  }
0x89: {  	s3 =	sld [smem:$0x3FFE];
	_ =	sdelay $0x1  }
0x8a: {  	s1 =	srdreg.scid  }
0x8b: {  	s0 =	sand.u32 $0x1, s1  }
0x8c: {  	s17 =	sshll.u32 s0, $0xA;
	s2 =	sadd.s32 s3, s2  }
0x8d: {  	s2 =	sadd.s32 s2, s17  }
0x8e: {  	[smem:$0x3FC0] =	sst s2  }
0x8f: {  	_ = 	snop  }
0x90: {  	s2 =	sld [smem:$0x3FD0];
	(tm) =	ssettm $0x1  }
0x91: {  	s18 =	sld [smem:$0x3FFB];
	_ =	sdelay $0x3  }
0x92: {  	_ =	strace s18  }
0x93: {  	s3 =	sld [smem:$0x3FFC];
	_ =	sdelay $0x3  }
0x94: {  	_ =	strace s3  }
0x95: {  	s3 =	sld [smem:$0x3FFD];
	_ =	sdelay $0x3  }
0x96: {  	_ =	strace s3  }
0x97: {  	_ =	strace $0x8FFFFFFF  }
0x98: {  	s19 =	sld [smem:$0x3FDB];
	_ =	sdelay $0x1  }
0x99: {  	s4 =	simm.s32 $_scs_section_size  }
0x9a: {  	s5 =	simm.s32 $_size__tile_overlayer_lowered;
	s6 =	simm.s32 $_tile_overlayer_lowered  }
0x9b: {  	s22 =	simm.s32 $0x1BFF;
	s21 =	sshll.u32 s6, $0x1;
	s3 =	sadd.s32 s4, s19  }
0x9c: {  	s7 =	simm.s32 $0x0;
	s20 =	sshll.u32 s5, $0x1;
	s5 =	sadd.s32 s21, s3  }
0x9d: {  	[timem:s7], [sflag:s22] =	dma.local [hbm:s5], s20  }
0x9e: {  	_ =	swait.ge [sflag:s22], s20  }
0x9f: {  	s4 =	ssub.s32 $0x0, s20;
	[sflag:s22] =	ssyncset.done $0x0  }
0xa0: {  	[sflag:s22] =	ssyncadd.s32 s4;
	_ =	sdelay $0x1  }
0xa1: {  	s23 =	simm.s32 $0x1B8B  }
0xa2: {  	_ =	swait.ge [sflag:s23], $0x1  }
0xa3: {  	[sflag:s23] =	ssyncset.done $0x0  }
0xa4: {  	s25 =	simm.s32 $0x1B8E;
	s24 =	sld [smem:$0x3FFE];
	[sflag:s23] =	ssyncadd.s32 $0xFFFFFFFF  }
0xa5: {  	s26 =	simm.s32 $execute0_lowered;
	[smem:$0x3FD2] =	sst s25  }
0xa6: {  	s5 =	sshll.u32 s26, $0x1;
	_ =	strace $0x8000004C;
	[dreg:$0x1] =	wrdreg $0xFFFFFFFF  }
0xa7: {  	s28 =	simm.s32 $_size_execute0_lowered;
	s3 =	sadd.s32 s3, s5;
	[dreg:$0x0] =	wrdreg $0x0  }
0xa8: {  	s5 =	sshll.u32 s28, $0x1;
	[dreg:$0x2] =	wrdreg s3  }
0xa9: {  	[dreg:$0x3] =	wrdreg s5  }
0xaa: {  	[dreg:$0x4] =	wrdreg $0xC0  }
0xab: {  	_ =	task [dreg:s7], $0x5FFFF  }
0xac: {  	[dreg:$0x1] =	wrdreg $0xFFFFFFFF  }
0xad: {  	[dreg:$0x0] =	wrdreg $0x60  }
0xae: {  	[dreg:$0x2] =	wrdreg s2  }
0xaf: {  	[dreg:$0x3] =	wrdreg s24  }
0xb0: {  	[dreg:$0x4] =	wrdreg $0x90000  }
0xb1: {  	[dreg:$0x5] =	wrdreg $0x9  }
0xb2: {  	_ =	task.clear_ibuf [dreg:s7], $0x6FFFF;
	_ =	strace $0x9000004C  }
0xb3: {  	s29 =	simm.s32 $0x9;
	_ =	strace $0x8000004E  }
0xb4: {  	_ =	swait.ge [sflag:s29], $0x1  }
0xb5: {  	[sflag:s29] =	ssyncadd.s32 $0xFFFFFFFF  }
0xb6: {  	_ =	strace $0x9000004E  }
0xb7: {  	_ =	sfence  }
0xb8: {  	s30 =	sld [smem:$0x0];
	_ =	sdelay $0x2  }
0xb9: {  	s31 =	sshll.u32 s1, $0xD;
	s1 =	sshrl.u32 s1, $0x2  }
0xba: {  	s3 =	sand.u32 $0x4000, s31;
	s1 =	sadd.s32 s1, s30  }
0xbb: {  	s0 =	sor.u32 s3, s0;
	s1 =	sshll.u32 s1, $0x11  }
0xbc: {  	s0 =	sor.u32 s1, s0  }
0xbd: {  	s0 =	sadd.s32 $0x8F2B, s0  }
0xbe: {  	[sflag:s0] =	ssyncadd.remote.s32 $0x1  }
0xbf: {  	_ =	sfence.sel $0xFFFF  }
0xc0: {  	[dreg:$0x0] =	wrdreg $0xFFFFFFFF;
	(pc) =	sbr.abs _section_cstart, $3  }
0xc1: {  	[dreg:$0x1] =	wrdreg $0xFFFFFFFF  }
0xc2: {  	_ =	task.clear_ibuf [dreg:s7], $0x2FFFF;
	_ =	strace $0x9FFFFFFF  }
0xc3: {  	(tm) =	ssettm $0x7FFFFFFF  }
tec
execute0_lowered:
.L_overlay_start_1:
0x0: {  	(tag) =	ssettag $0x1  }
0x1: {  	s0 =	rddreg [dreg:$0x0];
	s1 =	srdreg.scid  }
0x2: {  	s16 =	stileid.u32;
	s4 =	rddreg [dreg:$0x1]  }
0x3: {  	s2 =	rddreg [dreg:$0x2];
	s3 =	simm.s32 $0x0;
	s13 =	simm.s32 $0x5000  }
0x4: {  	s14 =	simm.s32 $0x2;
	s15 =	simm.s32 $0x2800;
	s17 =	simm.s32 $0x1  }
0x5: {  	s5 =	sand.u32 $0x1, s1;
	s31 =	sshll.u32 s16, $0x1;
	s1 =	rddreg [dreg:$0x3]  }
0x6: {  	[smem:$0x7FF] =	sst s3;
	s7 =	smul.u32 $0x50000, s16;
	p0 =	sne.s32 s16, $0x0  }
0x7: {  	s16 =	simm.s32 $0x80;
	s6 =	sor.u32 s5, s31;
	s8 =	smul.u32 $0x28000, s5  }
0x8: {  	_ =	strace $0x8000004D;
	s5 =	ssub.s32 $0x2, s5;
	s6 =	smul.u32 $0x500, s6  }
0x9: {  	s18 =	sshrl.u32 @!p0 s2, $0x3;
	s9 =	sshrl.u32 s5, $0x1;
	s7 =	sshrl.u32 s7, $0x2  }
0xa: {  	s8 =	sadd.s32 s8, s4;
	s9 =	ssub.s32 s5, s9;
	s6 =	sadd.s32 s6, s4  }
0xb: {  	s4 =	sadd.s32 s7, s2;
	s7 =	sadd.s32 $0x21200, s8;
	s8 =	smax.u32 s9, $0x1  }
0xc: {  	s5 =	sadd.s32 $0xD200, s6;
	s6 =	sadd.s32 $0x17200, s6;
	s9 =	sadd.s32 $0x4000, s4  }
0xd: {  	v0 =	vimm.f32 $0.0e+00;
	s10 =	sadd.s32 $0x8000, s4;
	s11 =	sadd.s32 $0xC000, s4;
	s12 =	sadd.s32 $0x10000, s4  }
.LBB2_1:
0xe: {  	s19 =	simm.s32 $0x0;
	s20 =	simm.s32 $0x200  }
.LBB2_2:
0xf: {  	p1 =	sne.s32 s20, $0xFE00;
	[tilespmem:s19+$0x5070] =	vst v0  }
0x10: {  	[tilespmem:s19+$0x5000] =	vst v0  }
0x11: {  	[tilespmem:s19+$0x5010] =	vst v0  }
.Ltmp0:
0x12: {  	[tilespmem:s19+$0x5020] =	vst v0;
	(pc) =	sbr.rel @p1 .LBB2_2-.Ltmp0, $4  }
0x13: {  	[tilespmem:s19+$0x5030] =	vst v0  }
0x14: {  	[tilespmem:s19+$0x5040] =	vst v0  }
0x15: {  	[tilespmem:s19+$0x5050] =	vst v0  }
0x16: {  	[tilespmem:s19+$0x5060] =	vst v0;
	s19 =	sshra.s32 s20, $0x2;
	s20 =	sadd.s32 $0x200, s20  }
0x17: {  	[tilespmem:s19+$0x5070] =	vst v0  }
0x18: {  	[tilespmem:s19+$0x5000] =	vst v0  }
0x19: {  	[tilespmem:s19+$0x5010] =	vst v0  }
0x1a: {  	[tilespmem:s19+$0x5020] =	vst v0  }
0x1b: {  	[tilespmem:s19+$0x5030] =	vst v0  }
0x1c: {  	[tilespmem:s19+$0x5040] =	vst v0  }
0x1d: {  	[tilespmem:s19+$0x5050] =	vst v0  }
0x1e: {  	[tilespmem:s19+$0x5060] =	vst v0  }
0x1f: {  	[spmem:s4] =	stream.linear.scatter [tilespmem:s13], [sflag:$0x2], $0x4000, $0x38;
	[tilespmem:$0x1D000] =	vst v63  }
0x20: {  	_ =	swait.ge [sflag:s14], $0x4000  }
0x21: {  	[sflag:s14] =	ssyncset.done $0x0  }
0x22: {  	[sflag:s14] =	ssyncadd.s32 $0xFFFFC000  }
0x23: {  	[spmem:s9] =	stream.linear.scatter [tilespmem:s13], [sflag:$0x2], $0x4000, $0x38;
	[tilespmem:$0x1D000] =	vst v63  }
0x24: {  	_ =	swait.ge [sflag:s14], $0x4000  }
0x25: {  	[sflag:s14] =	ssyncset.done $0x0  }
0x26: {  	[sflag:s14] =	ssyncadd.s32 $0xFFFFC000  }
0x27: {  	[spmem:s10] =	stream.linear.scatter [tilespmem:s13], [sflag:$0x2], $0x4000, $0x38;
	[tilespmem:$0x1D000] =	vst v63  }
0x28: {  	_ =	swait.ge [sflag:s14], $0x4000  }
0x29: {  	[sflag:s14] =	ssyncset.done $0x0  }
0x2a: {  	[sflag:s14] =	ssyncadd.s32 $0xFFFFC000  }
0x2b: {  	[spmem:s11] =	stream.linear.scatter [tilespmem:s13], [sflag:$0x2], $0x4000, $0x38;
	[tilespmem:$0x1D000] =	vst v63  }
0x2c: {  	_ =	swait.ge [sflag:s14], $0x4000  }
0x2d: {  	[sflag:s14] =	ssyncset.done $0x0  }
0x2e: {  	[sflag:s14] =	ssyncadd.s32 $0xFFFFC000  }
0x2f: {  	[spmem:s12] =	stream.linear.scatter [tilespmem:s13], [sflag:$0x2], $0x4000, $0x38;
	[tilespmem:$0x1D000] =	vst v63  }
0x30: {  	_ =	swait.ge [sflag:s14], $0x4000  }
0x31: {  	[sflag:s14] =	ssyncset.done $0x0  }
0x32: {  	s29 =	simm.s32 $0x0;
	[sflag:s14] =	ssyncadd.s32 $0xFFFFC000  }
0x33: {  	[tilespmem:s29], [sflag:$0x2] =	stream.linear.gather [hbm4b:s5+s29], $0x2800, $0x38;
	[tilespmem:$0x1D000] =	vst v63  }
0x34: {  	_ =	swait.ge [sflag:s14], $0x2800  }
0x35: {  	[sflag:s14] =	ssyncset.done $0x0  }
0x36: {  	[sflag:s14] =	ssyncadd.s32 $0xFFFFD800  }
0x37: {  	[tilespmem:s15], [sflag:$0x2] =	stream.linear.gather [hbm4b:s6+s29], $0x2800, $0x38;
	[tilespmem:$0x1D000] =	vst v63  }
0x38: {  	_ =	swait.ge [sflag:s14], $0x2800  }
0x39: {  	[sflag:s14] =	ssyncset.done $0x0  }
0x3a: {  	[sflag:s14] =	ssyncadd.s32 $0xFFFFD800  }
0x3b: {  	s30 =	simm.s32 $0x0;
	[bflag:$0x0] =	sbarrier.arrive $0xFFFF  }
0x3c: {  	[tilespmem:s13], [sflag:$0x1] =	stream.indirect.gather [hbm4b:s0+s16], $0x80, s30, s16, $0xb8;
	[tilespmem:$0x1D000] =	vst v63  }
0x3d: {  	_ =	swait.ge [sflag:s17], $0x4000  }
0x3e: {  	[sflag:s17] =	ssyncset.done $0x0  }
0x3f: {  	s31 =	simm.s32 $0x2800;
	[sflag:s17] =	ssyncadd.s32 $0xFFFFC000  }
0x40: {  	[spmem:s2] =	stream.indirect.scatter.add.f32 [tilespmem:s13], [sflag:$0x2], $0x80, s31, s16, $0xb8;
	[tilespmem:$0x1D000] =	vst v63  }
0x41: {  	_ =	swait.ge [sflag:s14], $0x4000  }
0x42: {  	s19 =	simm.s32 $0x200;
	s20 =	simm.s32 $0x400;
	[sflag:s14] =	ssyncset.done $0x0  }
.LBB2_4:
0x43: {  	s21 =	sshra.s32 s19, $0x2  }
0x44: {  	[sflag:s14] =	ssyncadd.s32 $0xFFFFC000;
	s19 =	smov.u32 s20;
	s22 =	sadd.s32 $0x200, s20  }
0x45: {  	[tilespmem:s13], [sflag:$0x1] =	stream.indirect.gather [hbm4b:s0+s16], $0x80, s21, s16, $0xb8;
	[tilespmem:$0x1D000] =	vst v63  }
0x46: {  	p1 =	sne.s32 s20, $0x9E00;
	_ =	swait.ge [sflag:s17], $0x4000  }
.Ltmp1:
0x47: {  	[sflag:s17] =	ssyncset.done $0x0;
	(pc) =	sbr.rel @p1 .LBB2_4-.Ltmp1, $4  }
0x48: {  	s20 =	sadd.s32 $0x2800, s21;
	[sflag:s17] =	ssyncadd.s32 $0xFFFFC000  }
0x49: {  	[spmem:s2] =	stream.indirect.scatter.add.f32 [tilespmem:s13], [sflag:$0x2], $0x80, s20, s16, $0xb8;
	[tilespmem:$0x1D000] =	vst v63  }
0x4a: {  	_ =	swait.ge [sflag:s14], $0x4000  }
0x4b: {  	s20 =	smov.u32 s22;
	[sflag:s14] =	ssyncset.done $0x0  }
0x4c: {  	s19 =	sshra.s32 s19, $0x2;
	[sflag:s14] =	ssyncadd.s32 $0xFFFFC000  }
0x4d: {  	[tilespmem:s13], [sflag:$0x1] =	stream.indirect.gather [hbm4b:s0+s16], $0x80, s19, s16, $0xb8;
	[tilespmem:$0x1D000] =	vst v63  }
0x4e: {  	_ =	swait.ge [sflag:s17], $0x4000  }
0x4f: {  	[sflag:s17] =	ssyncset.done $0x0  }
0x50: {  	s19 =	sadd.s32 $0x2800, s19;
	[sflag:s17] =	ssyncadd.s32 $0xFFFFC000  }
0x51: {  	[spmem:s2] =	stream.indirect.scatter.add.f32 [tilespmem:s13], [sflag:$0x2], $0x80, s19, s16, $0xb8;
	[tilespmem:$0x1D000] =	vst v63  }
0x52: {  	_ =	swait.ge [sflag:s14], $0x4000  }
0x53: {  	[sflag:s14] =	ssyncset.done $0x0  }
0x54: {  	s3 =	sadd.s32 $0x1, s3;
	[sflag:s14] =	ssyncadd.s32 $0xFFFFC000  }
0x55: {  	p1 =	sne.s32 s3, s8;
	s19 =	simm.s32 @!p0 $0x1C02;
	[bflag:$0x0] =	sbarrier.arrive $0xFFFF  }
0x56: {  	[hbm:s7], [sflag:s19] =	dma.local @!p0 [spmem:s18], $0x28000  }
.Ltmp2:
0x57: {  	_ = 	snop;
	(pc) =	sbr.rel @p1 .LBB2_1-.Ltmp2, $4  }
0x58: {  	s19 =	simm.s32 @!p0 $0x2  }
0x59: {  	_ =	swait.ge @!p0 [sflag:s19], $0x28000  }
0x5a: {  	[sflag:s19] =	ssyncset.done @!p0 $0x0  }
0x5b: {  	[sflag:s19] =	ssyncadd.s32 @!p0 $0xFFFD8000  }
0x5c: {  	_ =	sfence.sel $0x180000  }
0x5d: {  	[bflag:$0x0] =	sbarrier.arrive $0xFFFF  }
0x5e: {  	_ =	strace $0x9000004D  }
0x5f: {  	s0 =	sadd.s32 @!p0 $0x100000, s1;
	[bflag:$0x2] =	sbarrier.arrive $0xFFFF  }
0x60: {  	[sflag:s0] =	ssyncadd.tile.s32 @!p0 $0x1;
	_ =	shalt  }
.Lfunc_end2:
_tile_overlayer_lowered:
.L_overlay_start_2:
0x61: {  	(tag) =	ssettag $0x2  }
0x62: {  	s0 =	rddreg [dreg:$0x0];
	s2 =	stileid.u32  }
0x63: {  	s1 =	rddreg [dreg:$0x1];
	p0 =	sne.s32 s2, $0x0  }
0x64: {  	s3 =	rddreg [dreg:$0x2];
	[bflag:$0x3] =	sbarrier.arrive $0xFFFF;
	s2 =	simm.s32 @!p0 $0x1C02  }
0x65: {  	[timem:s3], [sflag:s2] =	dma.local @!p0 [hbm:s0], s1  }
0x66: {  	s0 =	simm.s32 @!p0 $0x2  }
0x67: {  	_ =	swait.ge @!p0 [sflag:s0], s1  }
0x68: {  	s1 =	ssub.s32 @!p0 $0x0, s1;
	[sflag:s0] =	ssyncset.done @!p0 $0x0  }
0x69: {  	[sflag:s0] =	ssyncadd.s32 @!p0 s1  }
0x6a: {  	[bflag:$0x3] =	sbarrier.arrive $0xFFFF  }
0x6b: {  	_ =	shalt  }

// kernel: kernel.19.cloned.1.call-start
scs
__scs_entry_jumppad:
0x0: {  	(pc) =	sbr.rel $0x88, $3  }
0x1: {  	(tag) =	ssettag $0x0;
	lr =	simm.s32 $0x1  }
0x2: {  	[smem:$0x3F99] =	sst lr;
	_ =	strace $0xD0000000  }
0x3: {  	_ = 	snop  }
0x4: {  	_ = 	snop  }
0x5: {  	_ = 	snop  }
0x6: {  	_ = 	snop  }
0x7: {  	_ = 	snop  }
__scs_overlays_trampoline_lowered:
0x8: {  	[smem:$0x3FA8] =	sst s0  }
0x9: {  	[smem:$0x3FA9] =	sst s1  }
0xa: {  	[smem:$0x3FAA] =	sst s2  }
0xb: {  	[smem:$0x3FAB] =	sst s3  }
0xc: {  	[smem:$0x3FAC] =	sst s4  }
0xd: {  	[smem:$0x3FAD] =	sst s5  }
0xe: {  	[smem:$0x3FAE] =	sst s6  }
0xf: {  	[smem:$0x3FAF] =	sst s7  }
0x10: {  	[smem:$0x3FB0] =	sst s8  }
0x11: {  	[smem:$0x3FB1] =	sst s9;
	s0 =	simm.s32 @!p0 $0x0  }
0x12: {  	s1 =	sld [smem:$0x3F97];
	s0 =	simm.s32 @p0 $0x1  }
0x13: {  	[smem:$0x3FB2] =	sst s0;
	s0 =	simm.s32 @!p1 $0x0  }
0x14: {  	s2 =	sld [smem:$0x3F96];
	s0 =	simm.s32 @p1 $0x1  }
0x15: {  	[smem:$0x3FB3] =	sst s0;
	s0 =	simm.s32 @!p2 $0x0  }
0x16: {  	s3 =	sld [smem:$0x3FDB];
	s0 =	simm.s32 @p2 $0x1  }
0x17: {  	s4 =	simm.s32 $0x1BF5;
	[smem:$0x3FB5] =	sst s0  }
0x18: {  	s0 =	sld [smem:$0x3F98];
	_ =	swait.ge [sflag:s4], $0x0  }
0x19: {  	s7 =	sld [smem:$0x3F99]  }
0x1a: {  	s8 =	sadd.s32 $0xFFFFE003, lr  }
0x1b: {  	s9 =	sadd.s32 $0xFFFFFEF7, lr;
	s5 =	simm.s32 $0xFFFFFFFF;
	p2 =	slt.u32 s8, $0xFFFFF086  }
0x1c: {  	p1 =	slt.u32 s9, $0xF7A;
	s5 =	simm.s32 @!p2 $0x0  }
0x1d: {  	s5 =	simm.s32 @p1 $0x1;
	p0 =	seq.s32 s7, s2  }
0x1e: {  	s7 =	smul.u32 @!p0 $0xF7A, s2;
	p2 =	seq.s32 @!p0 s5, $0x0  }
0x1f: {  	s9 =	smul.u32 $0xF7A, s1;
	s8 =	simm.s32 @!p0 $0x1BF5;
	p2 =	por !p2, p0  }
0x20: {  	[sflag:s8] =	ssyncset.s32 @!p0 $0xFFFFF086;
	s6 =	sadd.s32 @!p0 s3, s7;
	s7 =	simm.s32 @!p0 $0x108  }
0x21: {  	s3 =	sadd.s32 s3, s9;
	s6 =	sadd.s32 @!p0 $0x88, s6;
	s7 =	simm.s32 @p2 $0x1082  }
0x22: {  	[simem:s7], [sflag:s8] =	dma.local @!p0 [hbm:s6], $0xF7A  }
0x23: {  	s9 =	sor.u32 $0xD0000000, s2;
	s6 =	simm.s32 $0x108;
	_ =	swait.ge @!p0 [sflag:s8], $0x0  }
0x24: {  	s3 =	sadd.s32 $0x88, s3;
	s6 =	simm.s32 @!p1 $0x1082;
	[sflag:s4] =	ssyncset.s32 $0xFFFFF086  }
0x25: {  	[simem:s6], [sflag:s4] =	dma.local [hbm:s3], $0xF7A  }
0x26: {  	[smem:$0x3F99] =	sst s1;
	(tag) =	ssettag s2;
	_ =	strace s9  }
0x27: {  	s1 =	sld [smem:$0x3FA9]  }
0x28: {  	s2 =	sld [smem:$0x3FAA]  }
0x29: {  	s4 =	sld [smem:$0x3FAC]  }
0x2a: {  	p0 =	seq.s32 s5, $0x0;
	s5 =	sld [smem:$0x3FAD]  }
0x2b: {  	s6 =	sld [smem:$0x3FAE]  }
0x2c: {  	s7 =	sld [smem:$0x3FAF]  }
0x2d: {  	s3 =	simm.s32 $0x108;
	s8 =	sld [smem:$0x3FB0]  }
0x2e: {  	s3 =	simm.s32 @!p0 $0x1082;
	s9 =	sld [smem:$0x3FB1]  }
0x2f: {  	lr =	sadd.s32 s0, s3;
	s0 =	sld [smem:$0x3FA8]  }
0x30: {  	s3 =	sld [smem:$0x3FAB]  }
0x31: {  	[smem:$0x3FB4] =	sst s10  }
0x32: {  	s10 =	sld [smem:$0x3FB2];
	_ =	sdelay $0x3  }
0x33: {  	p0 =	seq.s32 s10, $0x1;
	s10 =	sld [smem:$0x3FB4];
	_ =	sdelay $0x3  }
0x34: {  	[smem:$0x3FB4] =	sst s10  }
0x35: {  	s10 =	sld [smem:$0x3FB3];
	_ =	sdelay $0x3  }
0x36: {  	p1 =	seq.s32 s10, $0x1;
	s10 =	sld [smem:$0x3FB4];
	_ =	sdelay $0x3  }
0x37: {  	[smem:$0x3FB4] =	sst s10  }
0x38: {  	s10 =	sld [smem:$0x3FB5]  }
0x39: {  	_ = 	snop;
	(pc) =	sbr.ind lr, $3  }
0x3a: {  	_ = 	snop  }
0x3b: {  	_ = 	snop  }
0x3c: {  	p2 =	seq.s32 s10, $0x1;
	s10 =	sld [smem:$0x3FB4]  }
0x3d: {  	_ =	shalt  }
0x3e: {  	_ =	shalt  }
0x3f: {  	_ =	shalt  }
0x40: {  	_ =	shalt  }
0x41: {  	_ =	shalt  }
0x42: {  	_ =	shalt  }
0x43: {  	_ =	shalt  }
0x44: {  	_ =	shalt  }
0x45: {  	_ =	shalt  }
0x46: {  	_ =	shalt  }
0x47: {  	_ =	shalt  }
0x48: {  	_ =	shalt  }
0x49: {  	_ =	shalt  }
0x4a: {  	_ =	shalt  }
0x4b: {  	_ =	shalt  }
0x4c: {  	_ =	shalt  }
0x4d: {  	_ =	shalt  }
0x4e: {  	_ =	shalt  }
0x4f: {  	_ =	shalt  }
0x50: {  	_ =	shalt  }
0x51: {  	_ =	shalt  }
0x52: {  	_ =	shalt  }
0x53: {  	_ =	shalt  }
0x54: {  	_ =	shalt  }
0x55: {  	_ =	shalt  }
0x56: {  	_ =	shalt  }
0x57: {  	_ =	shalt  }
0x58: {  	_ =	shalt  }
0x59: {  	_ =	shalt  }
0x5a: {  	_ =	shalt  }
0x5b: {  	_ =	shalt  }
0x5c: {  	_ =	shalt  }
0x5d: {  	_ =	shalt  }
0x5e: {  	_ =	shalt  }
0x5f: {  	_ =	shalt  }
0x60: {  	_ =	shalt  }
0x61: {  	_ =	shalt  }
0x62: {  	_ =	shalt  }
0x63: {  	_ =	shalt  }
0x64: {  	_ =	shalt  }
0x65: {  	_ =	shalt  }
0x66: {  	_ =	shalt  }
0x67: {  	_ =	shalt  }
0x68: {  	_ =	shalt  }
0x69: {  	_ =	shalt  }
0x6a: {  	_ =	shalt  }
0x6b: {  	_ =	shalt  }
0x6c: {  	_ =	shalt  }
0x6d: {  	_ =	shalt  }
0x6e: {  	_ =	shalt  }
0x6f: {  	_ =	shalt  }
0x70: {  	_ =	shalt  }
0x71: {  	_ =	shalt  }
0x72: {  	_ =	shalt  }
0x73: {  	_ =	shalt  }
0x74: {  	_ =	shalt  }
0x75: {  	_ =	shalt  }
0x76: {  	_ =	shalt  }
0x77: {  	_ =	shalt  }
0x78: {  	_ =	shalt  }
0x79: {  	_ =	shalt  }
0x7a: {  	_ =	shalt  }
0x7b: {  	_ =	shalt  }
0x7c: {  	_ =	shalt  }
0x7d: {  	_ =	shalt  }
0x7e: {  	_ =	shalt  }
0x7f: {  	_ =	shalt  }
0x80: {  	_ =	shalt  }
0x81: {  	_ =	shalt  }
0x82: {  	_ =	shalt  }
0x83: {  	_ =	shalt  }
0x84: {  	_ =	shalt  }
0x85: {  	_ =	shalt  }
0x86: {  	_ =	shalt  }
0x87: {  	_ =	shalt  }
.Lfunc_end0:
.L_simem_size_0:
called_computation.3_lowered:
.L_overlay_start_0:
0x88: {  	s2 =	sld [smem:$0x3FD9]  }
0x89: {  	s3 =	sld [smem:$0x3FFE];
	_ =	sdelay $0x1  }
0x8a: {  	s1 =	srdreg.scid  }
0x8b: {  	s0 =	sand.u32 $0x1, s1  }
0x8c: {  	s17 =	sshll.u32 s0, $0xA;
	s2 =	sadd.s32 s3, s2  }
0x8d: {  	s2 =	sadd.s32 s2, s17  }
0x8e: {  	[smem:$0x3FC0] =	sst s2  }
0x8f: {  	_ = 	snop  }
0x90: {  	s2 =	sld [smem:$0x3FD0];
	(tm) =	ssettm $0x1  }
0x91: {  	s18 =	sld [smem:$0x3FFB];
	_ =	sdelay $0x3  }
0x92: {  	_ =	strace s18  }
0x93: {  	s3 =	sld [smem:$0x3FFC];
	_ =	sdelay $0x3  }
0x94: {  	_ =	strace s3  }
0x95: {  	s3 =	sld [smem:$0x3FFD];
	_ =	sdelay $0x3  }
0x96: {  	_ =	strace s3  }
0x97: {  	_ =	strace $0x8FFFFFFF  }
0x98: {  	s19 =	sld [smem:$0x3FDB];
	_ =	sdelay $0x1  }
0x99: {  	s4 =	simm.s32 $_scs_section_size  }
0x9a: {  	s5 =	simm.s32 $_size__tile_overlayer_lowered;
	s6 =	simm.s32 $_tile_overlayer_lowered  }
0x9b: {  	s22 =	simm.s32 $0x1BFF;
	s21 =	sshll.u32 s6, $0x1;
	s3 =	sadd.s32 s4, s19  }
0x9c: {  	s7 =	simm.s32 $0x0;
	s20 =	sshll.u32 s5, $0x1;
	s5 =	sadd.s32 s21, s3  }
0x9d: {  	[timem:s7], [sflag:s22] =	dma.local [hbm:s5], s20  }
0x9e: {  	_ =	swait.ge [sflag:s22], s20  }
0x9f: {  	s4 =	ssub.s32 $0x0, s20;
	[sflag:s22] =	ssyncset.done $0x0  }
0xa0: {  	[sflag:s22] =	ssyncadd.s32 s4;
	_ =	sdelay $0x1  }
0xa1: {  	s23 =	simm.s32 $0x1B8B  }
0xa2: {  	_ =	swait.ge [sflag:s23], $0x1  }
0xa3: {  	[sflag:s23] =	ssyncset.done $0x0  }
0xa4: {  	s25 =	simm.s32 $0x1B8E;
	s24 =	sld [smem:$0x3FFE];
	[sflag:s23] =	ssyncadd.s32 $0xFFFFFFFF  }
0xa5: {  	s26 =	simm.s32 $execute0_lowered;
	[smem:$0x3FD2] =	sst s25  }
0xa6: {  	s5 =	sshll.u32 s26, $0x1;
	_ =	strace $0x8000004F;
	[dreg:$0x1] =	wrdreg $0xFFFFFFFF  }
0xa7: {  	s28 =	simm.s32 $_size_execute0_lowered;
	s3 =	sadd.s32 s3, s5;
	[dreg:$0x0] =	wrdreg $0x0  }
0xa8: {  	s5 =	sshll.u32 s28, $0x1;
	[dreg:$0x2] =	wrdreg s3  }
0xa9: {  	[dreg:$0x3] =	wrdreg s5  }
0xaa: {  	[dreg:$0x4] =	wrdreg $0xC0  }
0xab: {  	_ =	task [dreg:s7], $0x5FFFF  }
0xac: {  	[dreg:$0x1] =	wrdreg $0xFFFFFFFF  }
0xad: {  	[dreg:$0x0] =	wrdreg $0x60  }
0xae: {  	[dreg:$0x2] =	wrdreg s2  }
0xaf: {  	[dreg:$0x3] =	wrdreg s24  }
0xb0: {  	[dreg:$0x4] =	wrdreg $0x90000  }
0xb1: {  	[dreg:$0x5] =	wrdreg $0x9  }
0xb2: {  	_ =	task.clear_ibuf [dreg:s7], $0x6FFFF;
	_ =	strace $0x9000004F  }
0xb3: {  	s29 =	simm.s32 $0x9;
	_ =	strace $0x80000051  }
0xb4: {  	_ =	swait.ge [sflag:s29], $0x1  }
0xb5: {  	[sflag:s29] =	ssyncadd.s32 $0xFFFFFFFF  }
0xb6: {  	_ =	strace $0x90000051  }
0xb7: {  	_ =	sfence  }
0xb8: {  	s30 =	sld [smem:$0x0];
	_ =	sdelay $0x2  }
0xb9: {  	s31 =	sshll.u32 s1, $0xD;
	s1 =	sshrl.u32 s1, $0x2  }
0xba: {  	s3 =	sand.u32 $0x4000, s31;
	s1 =	sadd.s32 s1, s30  }
0xbb: {  	s0 =	sor.u32 s3, s0;
	s1 =	sshll.u32 s1, $0x11  }
0xbc: {  	s0 =	sor.u32 s1, s0  }
0xbd: {  	s0 =	sadd.s32 $0x8F2B, s0  }
0xbe: {  	[sflag:s0] =	ssyncadd.remote.s32 $0x1  }
0xbf: {  	_ =	sfence.sel $0xFFFF  }
0xc0: {  	[dreg:$0x0] =	wrdreg $0xFFFFFFFF;
	(pc) =	sbr.abs _section_cstart, $3  }
0xc1: {  	[dreg:$0x1] =	wrdreg $0xFFFFFFFF  }
0xc2: {  	_ =	task.clear_ibuf [dreg:s7], $0x2FFFF;
	_ =	strace $0x9FFFFFFF  }
0xc3: {  	(tm) =	ssettm $0x7FFFFFFF  }
tec
execute0_lowered:
.L_overlay_start_1:
0x0: {  	(tag) =	ssettag $0x1  }
0x1: {  	s0 =	rddreg [dreg:$0x0];
	s1 =	srdreg.scid  }
0x2: {  	s16 =	stileid.u32;
	s4 =	rddreg [dreg:$0x1]  }
0x3: {  	s2 =	rddreg [dreg:$0x2];
	s3 =	simm.s32 $0x0;
	s13 =	simm.s32 $0x5000  }
0x4: {  	s14 =	simm.s32 $0x2;
	s15 =	simm.s32 $0x2800;
	s17 =	simm.s32 $0x1  }
0x5: {  	s5 =	sand.u32 $0x1, s1;
	s31 =	sshll.u32 s16, $0x1;
	s1 =	rddreg [dreg:$0x3]  }
0x6: {  	[smem:$0x7FF] =	sst s3;
	s7 =	smul.u32 $0x50000, s16;
	p0 =	sne.s32 s16, $0x0  }
0x7: {  	s16 =	simm.s32 $0x80;
	s6 =	sor.u32 s5, s31;
	s8 =	smul.u32 $0x28000, s5  }
0x8: {  	_ =	strace $0x80000050;
	s5 =	ssub.s32 $0x2, s5;
	s6 =	smul.u32 $0x500, s6  }
0x9: {  	s18 =	sshrl.u32 @!p0 s2, $0x3;
	s9 =	sshrl.u32 s5, $0x1;
	s7 =	sshrl.u32 s7, $0x2  }
0xa: {  	s8 =	sadd.s32 s8, s4;
	s9 =	ssub.s32 s5, s9;
	s6 =	sadd.s32 s6, s4  }
0xb: {  	s4 =	sadd.s32 s7, s2;
	s7 =	sadd.s32 $0x21200, s8;
	s8 =	smax.u32 s9, $0x1  }
0xc: {  	s5 =	sadd.s32 $0xD200, s6;
	s6 =	sadd.s32 $0x17200, s6;
	s9 =	sadd.s32 $0x4000, s4  }
0xd: {  	v0 =	vimm.f32 $0.0e+00;
	s10 =	sadd.s32 $0x8000, s4;
	s11 =	sadd.s32 $0xC000, s4;
	s12 =	sadd.s32 $0x10000, s4  }
.LBB2_1:
0xe: {  	s19 =	simm.s32 $0x0;
	s20 =	simm.s32 $0x200  }
.LBB2_2:
0xf: {  	p1 =	sne.s32 s20, $0xFE00;
	[tilespmem:s19+$0x5070] =	vst v0  }
0x10: {  	[tilespmem:s19+$0x5000] =	vst v0  }
0x11: {  	[tilespmem:s19+$0x5010] =	vst v0  }
.Ltmp0:
0x12: {  	[tilespmem:s19+$0x5020] =	vst v0;
	(pc) =	sbr.rel @p1 .LBB2_2-.Ltmp0, $4  }
0x13: {  	[tilespmem:s19+$0x5030] =	vst v0  }
0x14: {  	[tilespmem:s19+$0x5040] =	vst v0  }
0x15: {  	[tilespmem:s19+$0x5050] =	vst v0  }
0x16: {  	[tilespmem:s19+$0x5060] =	vst v0;
	s19 =	sshra.s32 s20, $0x2;
	s20 =	sadd.s32 $0x200, s20  }
0x17: {  	[tilespmem:s19+$0x5070] =	vst v0  }
0x18: {  	[tilespmem:s19+$0x5000] =	vst v0  }
0x19: {  	[tilespmem:s19+$0x5010] =	vst v0  }
0x1a: {  	[tilespmem:s19+$0x5020] =	vst v0  }
0x1b: {  	[tilespmem:s19+$0x5030] =	vst v0  }
0x1c: {  	[tilespmem:s19+$0x5040] =	vst v0  }
0x1d: {  	[tilespmem:s19+$0x5050] =	vst v0  }
0x1e: {  	[tilespmem:s19+$0x5060] =	vst v0  }
0x1f: {  	[spmem:s4] =	stream.linear.scatter [tilespmem:s13], [sflag:$0x2], $0x4000, $0x38;
	[tilespmem:$0x1D000] =	vst v63  }
0x20: {  	_ =	swait.ge [sflag:s14], $0x4000  }
0x21: {  	[sflag:s14] =	ssyncset.done $0x0  }
0x22: {  	[sflag:s14] =	ssyncadd.s32 $0xFFFFC000  }
0x23: {  	[spmem:s9] =	stream.linear.scatter [tilespmem:s13], [sflag:$0x2], $0x4000, $0x38;
	[tilespmem:$0x1D000] =	vst v63  }
0x24: {  	_ =	swait.ge [sflag:s14], $0x4000  }
0x25: {  	[sflag:s14] =	ssyncset.done $0x0  }
0x26: {  	[sflag:s14] =	ssyncadd.s32 $0xFFFFC000  }
0x27: {  	[spmem:s10] =	stream.linear.scatter [tilespmem:s13], [sflag:$0x2], $0x4000, $0x38;
	[tilespmem:$0x1D000] =	vst v63  }
0x28: {  	_ =	swait.ge [sflag:s14], $0x4000  }
0x29: {  	[sflag:s14] =	ssyncset.done $0x0  }
0x2a: {  	[sflag:s14] =	ssyncadd.s32 $0xFFFFC000  }
0x2b: {  	[spmem:s11] =	stream.linear.scatter [tilespmem:s13], [sflag:$0x2], $0x4000, $0x38;
	[tilespmem:$0x1D000] =	vst v63  }
0x2c: {  	_ =	swait.ge [sflag:s14], $0x4000  }
0x2d: {  	[sflag:s14] =	ssyncset.done $0x0  }
0x2e: {  	[sflag:s14] =	ssyncadd.s32 $0xFFFFC000  }
0x2f: {  	[spmem:s12] =	stream.linear.scatter [tilespmem:s13], [sflag:$0x2], $0x4000, $0x38;
	[tilespmem:$0x1D000] =	vst v63  }
0x30: {  	_ =	swait.ge [sflag:s14], $0x4000  }
0x31: {  	[sflag:s14] =	ssyncset.done $0x0  }
0x32: {  	s29 =	simm.s32 $0x0;
	[sflag:s14] =	ssyncadd.s32 $0xFFFFC000  }
0x33: {  	[tilespmem:s29], [sflag:$0x2] =	stream.linear.gather [hbm4b:s5+s29], $0x2800, $0x38;
	[tilespmem:$0x1D000] =	vst v63  }
0x34: {  	_ =	swait.ge [sflag:s14], $0x2800  }
0x35: {  	[sflag:s14] =	ssyncset.done $0x0  }
0x36: {  	[sflag:s14] =	ssyncadd.s32 $0xFFFFD800  }
0x37: {  	[tilespmem:s15], [sflag:$0x2] =	stream.linear.gather [hbm4b:s6+s29], $0x2800, $0x38;
	[tilespmem:$0x1D000] =	vst v63  }
0x38: {  	_ =	swait.ge [sflag:s14], $0x2800  }
0x39: {  	[sflag:s14] =	ssyncset.done $0x0  }
0x3a: {  	[sflag:s14] =	ssyncadd.s32 $0xFFFFD800  }
0x3b: {  	s30 =	simm.s32 $0x0;
	[bflag:$0x0] =	sbarrier.arrive $0xFFFF  }
0x3c: {  	[tilespmem:s13], [sflag:$0x1] =	stream.indirect.gather [hbm4b:s0+s16], $0x80, s30, s16, $0xb8;
	[tilespmem:$0x1D000] =	vst v63  }
0x3d: {  	_ =	swait.ge [sflag:s17], $0x4000  }
0x3e: {  	[sflag:s17] =	ssyncset.done $0x0  }
0x3f: {  	s31 =	simm.s32 $0x2800;
	[sflag:s17] =	ssyncadd.s32 $0xFFFFC000  }
0x40: {  	[spmem:s2] =	stream.indirect.scatter.add.f32 [tilespmem:s13], [sflag:$0x2], $0x80, s31, s16, $0xb8;
	[tilespmem:$0x1D000] =	vst v63  }
0x41: {  	_ =	swait.ge [sflag:s14], $0x4000  }
0x42: {  	s19 =	simm.s32 $0x200;
	s20 =	simm.s32 $0x400;
	[sflag:s14] =	ssyncset.done $0x0  }
.LBB2_4:
0x43: {  	s21 =	sshra.s32 s19, $0x2  }
0x44: {  	[sflag:s14] =	ssyncadd.s32 $0xFFFFC000;
	s19 =	smov.u32 s20;
	s22 =	sadd.s32 $0x200, s20  }
0x45: {  	[tilespmem:s13], [sflag:$0x1] =	stream.indirect.gather [hbm4b:s0+s16], $0x80, s21, s16, $0xb8;
	[tilespmem:$0x1D000] =	vst v63  }
0x46: {  	p1 =	sne.s32 s20, $0x9E00;
	_ =	swait.ge [sflag:s17], $0x4000  }
.Ltmp1:
0x47: {  	[sflag:s17] =	ssyncset.done $0x0;
	(pc) =	sbr.rel @p1 .LBB2_4-.Ltmp1, $4  }
0x48: {  	s20 =	sadd.s32 $0x2800, s21;
	[sflag:s17] =	ssyncadd.s32 $0xFFFFC000  }
0x49: {  	[spmem:s2] =	stream.indirect.scatter.add.f32 [tilespmem:s13], [sflag:$0x2], $0x80, s20, s16, $0xb8;
	[tilespmem:$0x1D000] =	vst v63  }
0x4a: {  	_ =	swait.ge [sflag:s14], $0x4000  }
0x4b: {  	s20 =	smov.u32 s22;
	[sflag:s14] =	ssyncset.done $0x0  }
0x4c: {  	s19 =	sshra.s32 s19, $0x2;
	[sflag:s14] =	ssyncadd.s32 $0xFFFFC000  }
0x4d: {  	[tilespmem:s13], [sflag:$0x1] =	stream.indirect.gather [hbm4b:s0+s16], $0x80, s19, s16, $0xb8;
	[tilespmem:$0x1D000] =	vst v63  }
0x4e: {  	_ =	swait.ge [sflag:s17], $0x4000  }
0x4f: {  	[sflag:s17] =	ssyncset.done $0x0  }
0x50: {  	s19 =	sadd.s32 $0x2800, s19;
	[sflag:s17] =	ssyncadd.s32 $0xFFFFC000  }
0x51: {  	[spmem:s2] =	stream.indirect.scatter.add.f32 [tilespmem:s13], [sflag:$0x2], $0x80, s19, s16, $0xb8;
	[tilespmem:$0x1D000] =	vst v63  }
0x52: {  	_ =	swait.ge [sflag:s14], $0x4000  }
0x53: {  	[sflag:s14] =	ssyncset.done $0x0  }
0x54: {  	s3 =	sadd.s32 $0x1, s3;
	[sflag:s14] =	ssyncadd.s32 $0xFFFFC000  }
0x55: {  	p1 =	sne.s32 s3, s8;
	s19 =	simm.s32 @!p0 $0x1C02;
	[bflag:$0x0] =	sbarrier.arrive $0xFFFF  }
0x56: {  	[hbm:s7], [sflag:s19] =	dma.local @!p0 [spmem:s18], $0x28000  }
.Ltmp2:
0x57: {  	_ = 	snop;
	(pc) =	sbr.rel @p1 .LBB2_1-.Ltmp2, $4  }
0x58: {  	s19 =	simm.s32 @!p0 $0x2  }
0x59: {  	_ =	swait.ge @!p0 [sflag:s19], $0x28000  }
0x5a: {  	[sflag:s19] =	ssyncset.done @!p0 $0x0  }
0x5b: {  	[sflag:s19] =	ssyncadd.s32 @!p0 $0xFFFD8000  }
0x5c: {  	_ =	sfence.sel $0x180000  }
0x5d: {  	[bflag:$0x0] =	sbarrier.arrive $0xFFFF  }
0x5e: {  	_ =	strace $0x90000050  }
0x5f: {  	s0 =	sadd.s32 @!p0 $0x100000, s1;
	[bflag:$0x2] =	sbarrier.arrive $0xFFFF  }
0x60: {  	[sflag:s0] =	ssyncadd.tile.s32 @!p0 $0x1;
	_ =	shalt  }
.Lfunc_end2:
_tile_overlayer_lowered:
.L_overlay_start_2:
0x61: {  	(tag) =	ssettag $0x2  }
0x62: {  	s0 =	rddreg [dreg:$0x0];
	s2 =	stileid.u32  }
0x63: {  	s1 =	rddreg [dreg:$0x1];
	p0 =	sne.s32 s2, $0x0  }
0x64: {  	s3 =	rddreg [dreg:$0x2];
	[bflag:$0x3] =	sbarrier.arrive $0xFFFF;
	s2 =	simm.s32 @!p0 $0x1C02  }
0x65: {  	[timem:s3], [sflag:s2] =	dma.local @!p0 [hbm:s0], s1  }
0x66: {  	s0 =	simm.s32 @!p0 $0x2  }
0x67: {  	_ =	swait.ge @!p0 [sflag:s0], s1  }
0x68: {  	s1 =	ssub.s32 @!p0 $0x0, s1;
	[sflag:s0] =	ssyncset.done @!p0 $0x0  }
0x69: {  	[sflag:s0] =	ssyncadd.s32 @!p0 s1  }
0x6a: {  	[bflag:$0x3] =	sbarrier.arrive $0xFFFF  }
0x6b: {  	_ =	shalt  }

</sc_bundles>
